<compile_context>
chip_gen: v7x
topology: tpu7x:2x2x1
jax: 0.10.2.dev20260603
libtpu: 0.0.44.dev20260713+nightly
codegen_flags: <defaults>
</compile_context>

<pallas_src>
import jax
import jax.numpy as jnp
from jax import lax
from jax.experimental import pallas as pl
from jax.experimental.pallas import tpu as pltpu
from jax.experimental.pallas import tpu_sc as plsc

N = 10000
E = 320000
D = 128
H = 64

NC = 2
NS = 16
NW = NC * NS
EW = E // NW
K = 80
CH = EW // K
ET = 2 * E
EDW = ET // NW
CHD = EDW // K
NPA = 624
NREM = N - NS * NPA

_MESH = plsc.VectorSubcoreMesh(
    core_axis_name="c", subcore_axis_name="s", num_cores=NC, num_subcores=NS
)
_SC_PARAMS = pltpu.CompilerParams(
    needs_layout_passes=False, use_tc_tiling_on_sc=False
)

f32 = jnp.float32
i32 = jnp.int32


def _deg_body(dst_hbm, out_hbm, idx_v, acc_v, sem):
    c = lax.axis_index("c")
    s = lax.axis_index("s")
    w = c * NS + s
    cp = pltpu.async_copy(dst_hbm.at[pl.ds(w * EW, EW)], idx_v, sem)

    def zero(i, _):
        acc_v[pl.ds(i * 16, 16)] = jnp.zeros((16,), f32)
        return 0

    lax.fori_loop(0, N // 16, zero, 0)
    cp.wait()
    ones = jnp.ones((16,), f32)

    def body(i, _):
        idx = idx_v[pl.ds(i * 16, 16)]
        plsc.addupdate_scatter(acc_v, [idx], ones)
        return 0

    lax.fori_loop(0, EW // 16, body, 0)
    pltpu.sync_copy(acc_v, out_hbm.at[pl.ds(w * N, N)])


_deg = pl.kernel(
    _deg_body,
    out_type=jax.ShapeDtypeStruct((NW * N,), f32),
    mesh=_MESH,
    scratch_types=[
        pltpu.VMEM((EW,), i32),
        pltpu.VMEM((N,), f32),
        pltpu.SemaphoreType.DMA,
    ],
    compiler_params=_SC_PARAMS,
)


def _agg_body(srce, dste, table, zer, out_hbm, idx_s, idx_d, rows, acc_sh, sem):
    c = lax.axis_index("c")
    s = lax.axis_index("s")
    w = c * NS + s

    @pl.when(s == 0)
    def _():
        pltpu.sync_copy(zer, acc_sh)

    plsc.subcore_barrier()

    def chunk(g, _):
        base = w * EW + g * K
        pltpu.sync_copy(srce.at[pl.ds(base, K)], idx_s)
        pltpu.sync_copy(dste.at[pl.ds(base, K)], idx_d)
        pltpu.async_copy(table.at[idx_s], rows, sem).wait()
        pltpu.sync_copy(rows, acc_sh.at[idx_d], add=True)
        return 0

    lax.fori_loop(0, CH, chunk, 0)
    plsc.subcore_barrier()
    pltpu.sync_copy(
        acc_sh.at[pl.ds(s * NPA, NPA)], out_hbm.at[c, pl.ds(s * NPA, NPA)]
    )

    @pl.when(s == 0)
    def _():
        pltpu.sync_copy(
            acc_sh.at[pl.ds(NS * NPA, NREM)], out_hbm.at[c, pl.ds(NS * NPA, NREM)]
        )


_agg = pl.kernel(
    _agg_body,
    out_type=jax.ShapeDtypeStruct((NC, N, H), f32),
    mesh=_MESH,
    scratch_types=[
        pltpu.VMEM((K,), i32),
        pltpu.VMEM((K,), i32),
        pltpu.VMEM((K, H), f32),
        pltpu.VMEM_SHARED((N, H), f32),
        pltpu.SemaphoreType.DMA,
    ],
    compiler_params=_SC_PARAMS,
)


def _dec_body(srce, dste, a_hbm, z_hbm, bl_hbm, out_hbm,
              idx_s, idx_d, rows_a, rows_z, sc_buf, tmp_v, bl_v, sem, sem2):
    c = lax.axis_index("c")
    s = lax.axis_index("s")
    w = c * NS + s
    pltpu.sync_copy(bl_hbm, bl_v)
    blvec = bl_v[...]
    lanes16 = lax.iota(i32, 16) * 16

    def chunk(g, _):
        base = w * EDW + g * K
        pltpu.sync_copy(srce.at[pl.ds(base, K)], idx_s)
        pltpu.sync_copy(dste.at[pl.ds(base, K)], idx_d)
        cp1 = pltpu.async_copy(a_hbm.at[idx_s], rows_a, sem)
        cp2 = pltpu.async_copy(z_hbm.at[idx_d], rows_z, sem2)
        cp1.wait()
        cp2.wait()

        def group(j, _):
            def edge(e, _):
                eg = j * 16 + e
                acc = rows_a[eg, pl.ds(0, 16)] * rows_z[eg, pl.ds(0, 16)]
                acc = acc + rows_a[eg, pl.ds(16, 16)] * rows_z[eg, pl.ds(16, 16)]
                acc = acc + rows_a[eg, pl.ds(32, 16)] * rows_z[eg, pl.ds(32, 16)]
                acc = acc + rows_a[eg, pl.ds(48, 16)] * rows_z[eg, pl.ds(48, 16)]
                plsc.store_scatter(tmp_v, [lanes16 + e], acc)
                return 0

            lax.fori_loop(0, 16, edge, 0)

            def srow(l, sv):
                return sv + tmp_v[pl.ds(l * 16, 16)]

            sv = lax.fori_loop(0, 16, srow, blvec)
            sc_buf[pl.ds(j * 16, 16)] = sv
            return 0

        lax.fori_loop(0, K // 16, group, 0)
        pltpu.sync_copy(sc_buf, out_hbm.at[pl.ds(base, K)])
        return 0

    lax.fori_loop(0, CHD, chunk, 0)


_dec = pl.kernel(
    _dec_body,
    out_type=jax.ShapeDtypeStruct((ET,), f32),
    mesh=_MESH,
    scratch_types=[
        pltpu.VMEM((K,), i32),
        pltpu.VMEM((K,), i32),
        pltpu.VMEM((K, H), f32),
        pltpu.VMEM((K, H), f32),
        pltpu.VMEM((K,), f32),
        pltpu.VMEM((256,), f32),
        pltpu.VMEM((16,), f32),
        pltpu.SemaphoreType.DMA,
        pltpu.SemaphoreType.DMA,
    ],
    compiler_params=_SC_PARAMS,
)


def _tc1_body(x_ref, w1_ref, degp_ref, xs_ref, dis_ref):
    deg2 = jnp.sum(degp_ref[...], axis=0, keepdims=True) + 1.0
    dis2 = lax.rsqrt(deg2)
    dis_ref[...] = dis2
    discol = dis2.T
    xw = jnp.dot(x_ref[...], w1_ref[...], preferred_element_type=f32)
    xs_ref[...] = xw * discol


_tc1 = pl.pallas_call(
    _tc1_body,
    out_shape=[
        jax.ShapeDtypeStruct((N, H), f32),
        jax.ShapeDtypeStruct((1, N), f32),
    ],
)


def _tc2_body(aggp_ref, xs_ref, dis_ref, b1_ref, w2_ref, hs_ref):
    ssum = aggp_ref[0] + aggp_ref[1] + xs_ref[...]
    discol = dis_ref[...].T
    h = jnp.maximum(ssum * discol + b1_ref[...], 0.0)
    hs_ref[...] = jnp.dot(h, w2_ref[...], preferred_element_type=f32) * discol


_tc2 = pl.pallas_call(
    _tc2_body,
    out_shape=[jax.ShapeDtypeStruct((N, H), f32)],
)


def _tc3_body(aggp_ref, hs_ref, dis_ref, b2_ref, wl_ref, z_ref, a_ref):
    ssum = aggp_ref[0] + aggp_ref[1] + hs_ref[...]
    discol = dis_ref[...].T
    z = jnp.maximum(ssum * discol + b2_ref[...], 0.0)
    z_ref[...] = z
    a_ref[...] = z * wl_ref[...]


_tc3 = pl.pallas_call(
    _tc3_body,
    out_shape=[
        jax.ShapeDtypeStruct((N, H), f32),
        jax.ShapeDtypeStruct((N, H), f32),
    ],
)


def kernel(x, edge_index, pos_edge_index, neg_edge_index, W1, b1, W2, b2, Wl, bl):
    src = edge_index[0].reshape(-1)
    dst = edge_index[1].reshape(-1)
    zer = jnp.zeros((N, H), f32)

    degp = _deg(dst).reshape(NW, N)
    xs, dis2 = _tc1(x, W1, degp)
    aggp1 = _agg(src, dst, xs, zer)
    (hs,) = _tc2(aggp1, xs, dis2, b1.reshape(1, H), W2)
    aggp2 = _agg(src, dst, hs, zer)
    z, a = _tc3(aggp2, hs, dis2, b2.reshape(1, H), Wl.reshape(1, H))

    srcd = jnp.concatenate([pos_edge_index[0], neg_edge_index[0]])
    dstd = jnp.concatenate([pos_edge_index[1], neg_edge_index[1]])
    bl16 = jnp.broadcast_to(bl, (16,)).astype(f32)
    scores = _dec(srcd, dstd, a, z, bl16)
    return scores[:E], scores[E:]

# --- scband reference (transcript-rebuilt; emitter-appended) ---
"""Pipeline reference for scband-gcnlink-predictor-2516850835926 (READ-ONLY COPY).

The authoritative reference and input builder live on the scoring server;
editing this copy changes nothing except your own understanding.
"""

import jax, jax.numpy as jnp
import numpy as np

N = 10000
E = 320000
D = 128
H = 64


def gcn_conv(x, edge_index, W, b, n_nodes):
    # PyG GCNConv: linear transform (no bias), add self-loops, symmetric normalization, sum-aggregate, add bias
    xw = x @ W
    src = edge_index[0]
    dst = edge_index[1]
    sl = jnp.arange(n_nodes, dtype=src.dtype)
    src = jnp.concatenate([src, sl])
    dst = jnp.concatenate([dst, sl])
    deg = jnp.zeros((n_nodes,), dtype=xw.dtype).at[dst].add(1.0)
    deg_inv_sqrt = jnp.where(deg > 0, deg ** -0.5, 0.0)
    norm = deg_inv_sqrt[src] * deg_inv_sqrt[dst]
    msg = xw[src] * norm[:, None]
    out = jnp.zeros((n_nodes, xw.shape[1]), dtype=xw.dtype).at[dst].add(msg)
    return out + b


def setup_inputs(seed: int = 0) -> dict:
    key = jax.random.key(seed)
    ks = jax.random.split(key, 10)
    x = jax.random.normal(ks[0], (N, D), dtype=jnp.float32)
    edge_index = jax.random.randint(ks[1], (2, E), 0, N, dtype=jnp.int32)
    pos_edge_index = jax.random.randint(ks[2], (2, E), 0, N, dtype=jnp.int32)
    neg_edge_index = jax.random.randint(ks[3], (2, E), 0, N, dtype=jnp.int32)
    W1 = jax.random.normal(ks[4], (D, H), dtype=jnp.float32) * (1.0 / np.sqrt(D))
    b1 = jnp.zeros((H,), dtype=jnp.float32)
    W2 = jax.random.normal(ks[5], (H, H), dtype=jnp.float32) * (1.0 / np.sqrt(H))
    b2 = jnp.zeros((H,), dtype=jnp.float32)
    Wl = jax.random.normal(ks[6], (H, 1), dtype=jnp.float32) * (1.0 / np.sqrt(H))
    bl = jnp.zeros((1,), dtype=jnp.float32)
    return {"x": x, "edge_index": edge_index, "pos_edge_index": pos_edge_index,
            "neg_edge_index": neg_edge_index, "W1": W1, "b1": b1, "W2": W2,
            "b2": b2, "Wl": Wl, "bl": bl}


def reference(x, edge_index, pos_edge_index, neg_edge_index, W1, b1, W2, b2, Wl, bl):
    n_nodes = x.shape[0]
    # encode (dropout is identity in eval mode)
    h = gcn_conv(x, edge_index, W1, b1, n_nodes)
    h = jax.nn.relu(h)
    z = gcn_conv(h, edge_index, W2, b2, n_nodes)
    z = jax.nn.relu(z)

    def decode(z, ei):
        src = ei[0]
        dst = ei[1]
        hh = z[src] * z[dst]
        return (hh @ Wl + bl).reshape(-1)

    pos_scores = decode(z, pos_edge_index)
    neg_scores = decode(z, neg_edge_index)
    return (pos_scores, neg_scores)

if __name__ == "__main__":
    import jax
    _d = setup_inputs()
    print(jax.jit(kernel)(*tuple(_d.values())))

</pallas_src>

<mosaic_0001>
#map = affine_map<(d0, d1) -> (0)>
module attributes {stable_mosaic.version = 14 : i64} {
  func.func @_deg_body(%arg0: i32, %arg1: i32, %arg2: memref<320000xi32, #tpu.memory_space<hbm>>, %arg3: memref<320000xf32, #tpu.memory_space<hbm>>, %arg4: memref<10000xi32, #tpu.memory_space<vmem>>, %arg5: memref<10000xf32, #tpu.memory_space<vmem>>, %arg6: memref<!tpu.dma_semaphore, #tpu.memory_space<semaphore_mem>>) attributes {dimension_semantics = [#tpu.dimension_semantics<core_parallel>, #tpu.dimension_semantics<subcore_parallel>], iteration_bounds = array<i64: 2, 16>, scalar_prefetch = 0 : i64, scratch_operands = 3 : i64, tpu.core_type = #tpu.core_type<sc_vector_subcore>, window_params = [{transform_indices = #map}, {transform_indices = #map}]} {
    %mul3A = arith.constant 16 : i32
    %mul3A_0 = arith.muli %arg0, %mul3A : i32
    %add3A = arith.addi %mul3A_0, %arg1 : i32
    %mul3A_1 = arith.constant 10000 : i32
    %mul3A_2 = arith.muli %add3A, %mul3A_1 : i32
    %dma_start3A = tpu.memref_slice %arg2[%mul3A_2] : memref<320000xi32, #tpu.memory_space<hbm>> -> memref<10000xi32, #tpu.memory_space<hbm>>
    %dma_start3A_3 = tpu.memref_slice %arg2[%mul3A_2] : memref<320000xi32, #tpu.memory_space<hbm>> -> memref<10000xi32, #tpu.memory_space<hbm>>
    tpu.enqueue_dma source(%dma_start3A_3 : memref<10000xi32, #tpu.memory_space<hbm>>) target(%arg4 : memref<10000xi32, #tpu.memory_space<vmem>>) target_semaphore(%arg6 : memref<!tpu.dma_semaphore, #tpu.memory_space<semaphore_mem>>)
    %scan3A = arith.constant 0 : i32
    %scan3A_4 = arith.constant 0 : i32
    %scan3A_5 = arith.constant 625 : i32
    %scan3A_6 = arith.addi %scan3A_4, %scan3A_5 : i32
    %scan3A_7 = arith.constant 1 : i32
    %scan3A_8 = scf.for %scan3A_21 = %scan3A_4 to %scan3A_6 step %scan3A_7 iter_args(%scan3A_22 = %scan3A) -> (i32)  : i32 {
      %broadcast_in_dim3A_23 = arith.constant 0.000000e+00 : f32
      %broadcast_in_dim3A_24 = vector.broadcast %broadcast_in_dim3A_23 : f32 to vector<16xf32>
      %mul3A_25 = arith.constant 16 : i32
      %mul3A_26 = arith.muli %scan3A_21, %mul3A_25 : i32
      %swap3A = arith.index_cast %mul3A_26 : i32 to index
      %swap3A_27 = tpu.vector_load %arg5[%swap3A] {strides = array<i32>} : memref<10000xf32, #tpu.memory_space<vmem>>, vector<16xf32>,
      tpu.vector_store %arg5[%swap3A], %broadcast_in_dim3A_24 {strides = array<i32>} : memref<10000xf32, #tpu.memory_space<vmem>>, vector<16xf32>,
      %scan3A_28 = arith.constant 0 : i32
      scf.yield %scan3A_28 : i32
    }
    %scan3A_9 = arith.constant 625 : i32
    %dma_wait3A = tpu.memref_slice %arg2[%mul3A_2] : memref<320000xi32, #tpu.memory_space<hbm>> -> memref<10000xi32, #tpu.memory_space<hbm>>
    %dma_wait3A_10 = tpu.memref_slice %arg2[%mul3A_2] : memref<320000xi32, #tpu.memory_space<hbm>> -> memref<10000xi32, #tpu.memory_space<hbm>>
    tpu.wait_dma2 semaphore(%arg6 : memref<!tpu.dma_semaphore, #tpu.memory_space<semaphore_mem>>) src(%dma_wait3A_10 : memref<10000xi32, #tpu.memory_space<hbm>>) dst(%arg4 : memref<10000xi32, #tpu.memory_space<vmem>>)
    %broadcast_in_dim3A = arith.constant 1.000000e+00 : f32
    %broadcast_in_dim3A_11 = vector.broadcast %broadcast_in_dim3A : f32 to vector<16xf32>
    %scan3A_12 = arith.constant 0 : i32
    %scan3A_13 = arith.constant 0 : i32
    %scan3A_14 = arith.constant 625 : i32
    %scan3A_15 = arith.addi %scan3A_13, %scan3A_14 : i32
    %scan3A_16 = arith.constant 1 : i32
    %scan3A_17 = scf.for %scan3A_21 = %scan3A_13 to %scan3A_15 step %scan3A_16 iter_args(%scan3A_22 = %scan3A_12) -> (i32)  : i32 {
      %mul3A_23 = arith.constant 16 : i32
      %mul3A_24 = arith.muli %scan3A_21, %mul3A_23 : i32
      %get3A = arith.index_cast %mul3A_24 : i32 to index
      %get3A_25 = tpu.vector_load %arg4[%get3A] {strides = array<i32>} : memref<10000xi32, #tpu.memory_space<vmem>>, vector<16xi32>,
      tpu.vector_store_idx %arg5[%get3A_25], %broadcast_in_dim3A_11 {add = true} : memref<10000xf32, #tpu.memory_space<vmem>>[vector<16xi32>], vector<16xf32>,
      %scan3A_26 = arith.constant 0 : i32
      scf.yield %scan3A_26 : i32
    }
    %scan3A_18 = arith.constant 625 : i32
    %mul3A_19 = arith.constant 10000 : i32
    %mul3A_20 = arith.muli %add3A, %mul3A_19 : i32
    "tpu.region"() ({
      %run_scoped3A = tpu.sem_alloc : memref<!tpu.dma_semaphore, #tpu.memory_space<semaphore_mem>>
      %dma_start3A_21 = tpu.memref_slice %arg3[%mul3A_20] : memref<320000xf32, #tpu.memory_space<hbm>> -> memref<10000xf32, #tpu.memory_space<hbm>>
      %dma_start3A_22 = tpu.memref_slice %arg3[%mul3A_20] : memref<320000xf32, #tpu.memory_space<hbm>> -> memref<10000xf32, #tpu.memory_space<hbm>>
      tpu.enqueue_dma source(%arg5 : memref<10000xf32, #tpu.memory_space<vmem>>) target(%dma_start3A_22 : memref<10000xf32, #tpu.memory_space<hbm>>) target_semaphore(%run_scoped3A : memref<!tpu.dma_semaphore, #tpu.memory_space<semaphore_mem>>)
      %dma_wait3A_23 = tpu.memref_slice %arg3[%mul3A_20] : memref<320000xf32, #tpu.memory_space<hbm>> -> memref<10000xf32, #tpu.memory_space<hbm>>
      %dma_wait3A_24 = tpu.memref_slice %arg3[%mul3A_20] : memref<320000xf32, #tpu.memory_space<hbm>> -> memref<10000xf32, #tpu.memory_space<hbm>>
      tpu.wait_dma2 semaphore(%run_scoped3A : memref<!tpu.dma_semaphore, #tpu.memory_space<semaphore_mem>>) src(%arg5 : memref<10000xf32, #tpu.memory_space<vmem>>) dst(%dma_wait3A_24 : memref<10000xf32, #tpu.memory_space<hbm>>)
      tpu.yield
    }) : () -> ()
    return
  }
}

#map = affine_map<(d0, d1) -> (0)>
#map1 = affine_map<(d0, d1) -> (0, 0)>
#map2 = affine_map<(d0, d1) -> (0, 0, 0)>
module attributes {stable_mosaic.version = 14 : i64} {
  func.func @_agg_body(%arg0: i32, %arg1: i32, %arg2: memref<320000xi32, #tpu.memory_space<hbm>>, %arg3: memref<320000xi32, #tpu.memory_space<hbm>>, %arg4: memref<10000x64xf32, #tpu.memory_space<hbm>>, %arg5: memref<10000x64xf32, #tpu.memory_space<hbm>>, %arg6: memref<2x10000x64xf32, #tpu.memory_space<hbm>>, %arg7: memref<80xi32, #tpu.memory_space<vmem>>, %arg8: memref<80xi32, #tpu.memory_space<vmem>>, %arg9: memref<80x64xf32, #tpu.memory_space<vmem>>, %arg10: memref<10000x64xf32, #tpu.memory_space<vmem_shared>>, %arg11: memref<!tpu.dma_semaphore, #tpu.memory_space<semaphore_mem>>) attributes {dimension_semantics = [#tpu.dimension_semantics<core_parallel>, #tpu.dimension_semantics<subcore_parallel>], iteration_bounds = array<i64: 2, 16>, scalar_prefetch = 0 : i64, scratch_operands = 5 : i64, tpu.core_type = #tpu.core_type<sc_vector_subcore>, window_params = [{transform_indices = #map}, {transform_indices = #map}, {transform_indices = #map1}, {transform_indices = #map1}, {transform_indices = #map2}]} {
    %mul3A = arith.constant 16 : i32
    %mul3A_0 = arith.muli %arg0, %mul3A : i32
    %add3A = arith.addi %mul3A_0, %arg1 : i32
    %eq3A = arith.constant 0 : i32
    %eq3A_1 = arith.cmpi eq, %arg1, %eq3A : i32
    %convert_element_type3A = arith.extui %eq3A_1 : i1 to i32
    %cond3A = arith.constant 0 : i32
    %cond3A_2 = arith.cmpi ne, %convert_element_type3A, %cond3A : i32
    scf.if %cond3A_2 {
      "tpu.region"() ({
        %run_scoped3A = tpu.sem_alloc : memref<!tpu.dma_semaphore, #tpu.memory_space<semaphore_mem>>
        tpu.enqueue_dma source(%arg5 : memref<10000x64xf32, #tpu.memory_space<hbm>>) target(%arg10 : memref<10000x64xf32, #tpu.memory_space<vmem_shared>>) target_semaphore(%run_scoped3A : memref<!tpu.dma_semaphore, #tpu.memory_space<semaphore_mem>>)
        tpu.wait_dma2 semaphore(%run_scoped3A : memref<!tpu.dma_semaphore, #tpu.memory_space<semaphore_mem>>) src(%arg5 : memref<10000x64xf32, #tpu.memory_space<hbm>>) dst(%arg10 : memref<10000x64xf32, #tpu.memory_space<vmem_shared>>)
        tpu.yield
      }) : () -> ()
    } else {
    }
    %barrier3A = arith.constant 0 : index
    tpu.barrier barrier_id(%barrier3A)
    %scan3A = arith.constant 0 : i32
    %scan3A_3 = arith.constant 0 : i32
    %scan3A_4 = arith.constant 125 : i32
    %scan3A_5 = arith.addi %scan3A_3, %scan3A_4 : i32
    %scan3A_6 = arith.constant 1 : i32
    %scan3A_7 = scf.for %scan3A_19 = %scan3A_3 to %scan3A_5 step %scan3A_6 iter_args(%scan3A_20 = %scan3A) -> (i32)  : i32 {
      %mul3A_21 = arith.constant 10000 : i32
      %mul3A_22 = arith.muli %add3A, %mul3A_21 : i32
      %mul3A_23 = arith.constant 80 : i32
      %mul3A_24 = arith.muli %scan3A_19, %mul3A_23 : i32
      %add3A_25 = arith.addi %mul3A_22, %mul3A_24 : i32
      "tpu.region"() ({
        %run_scoped3A = tpu.sem_alloc : memref<!tpu.dma_semaphore, #tpu.memory_space<semaphore_mem>>
        %dma_start3A_31 = tpu.memref_slice %arg2[%add3A_25] : memref<320000xi32, #tpu.memory_space<hbm>> -> memref<80xi32, #tpu.memory_space<hbm>>
        %dma_start3A_32 = tpu.memref_slice %arg2[%add3A_25] : memref<320000xi32, #tpu.memory_space<hbm>> -> memref<80xi32, #tpu.memory_space<hbm>>
        tpu.enqueue_dma source(%dma_start3A_32 : memref<80xi32, #tpu.memory_space<hbm>>) target(%arg7 : memref<80xi32, #tpu.memory_space<vmem>>) target_semaphore(%run_scoped3A : memref<!tpu.dma_semaphore, #tpu.memory_space<semaphore_mem>>)
        %dma_wait3A_33 = tpu.memref_slice %arg2[%add3A_25] : memref<320000xi32, #tpu.memory_space<hbm>> -> memref<80xi32, #tpu.memory_space<hbm>>
        %dma_wait3A_34 = tpu.memref_slice %arg2[%add3A_25] : memref<320000xi32, #tpu.memory_space<hbm>> -> memref<80xi32, #tpu.memory_space<hbm>>
        tpu.wait_dma2 semaphore(%run_scoped3A : memref<!tpu.dma_semaphore, #tpu.memory_space<semaphore_mem>>) src(%dma_wait3A_34 : memref<80xi32, #tpu.memory_space<hbm>>) dst(%arg7 : memref<80xi32, #tpu.memory_space<vmem>>)
        tpu.yield
      }) : () -> ()
      "tpu.region"() ({
        %run_scoped3A = tpu.sem_alloc : memref<!tpu.dma_semaphore, #tpu.memory_space<semaphore_mem>>
        %dma_start3A_31 = tpu.memref_slice %arg3[%add3A_25] : memref<320000xi32, #tpu.memory_space<hbm>> -> memref<80xi32, #tpu.memory_space<hbm>>
        %dma_start3A_32 = tpu.memref_slice %arg3[%add3A_25] : memref<320000xi32, #tpu.memory_space<hbm>> -> memref<80xi32, #tpu.memory_space<hbm>>
        tpu.enqueue_dma source(%dma_start3A_32 : memref<80xi32, #tpu.memory_space<hbm>>) target(%arg8 : memref<80xi32, #tpu.memory_space<vmem>>) target_semaphore(%run_scoped3A : memref<!tpu.dma_semaphore, #tpu.memory_space<semaphore_mem>>)
        %dma_wait3A_33 = tpu.memref_slice %arg3[%add3A_25] : memref<320000xi32, #tpu.memory_space<hbm>> -> memref<80xi32, #tpu.memory_space<hbm>>
        %dma_wait3A_34 = tpu.memref_slice %arg3[%add3A_25] : memref<320000xi32, #tpu.memory_space<hbm>> -> memref<80xi32, #tpu.memory_space<hbm>>
        tpu.wait_dma2 semaphore(%run_scoped3A : memref<!tpu.dma_semaphore, #tpu.memory_space<semaphore_mem>>) src(%dma_wait3A_34 : memref<80xi32, #tpu.memory_space<hbm>>) dst(%arg8 : memref<80xi32, #tpu.memory_space<vmem>>)
        tpu.yield
      }) : () -> ()
      %dma_start3A = arith.constant 0 : i32
      %dma_start3A_26 = arith.constant 0 : i32
      %dma_start3A_27 = tpu.memref_slice %arg4[%dma_start3A, %dma_start3A_26] : memref<10000x64xf32, #tpu.memory_space<hbm>> -> memref<10000x64xf32, #tpu.memory_space<hbm>>
      tpu.enqueue_indirect_dma source(%dma_start3A_27 : memref<10000x64xf32, #tpu.memory_space<hbm>>) target(%arg9 : memref<80x64xf32, #tpu.memory_space<vmem>>) offsets(%arg7 : memref<80xi32, #tpu.memory_space<vmem>>) semaphore(%arg11 : memref<!tpu.dma_semaphore, #tpu.memory_space<semaphore_mem>>)
      %dma_wait3A = arith.constant 0 : i32
      %dma_wait3A_28 = arith.constant 0 : i32
      %dma_wait3A_29 = tpu.memref_slice %arg4[%dma_wait3A, %dma_wait3A_28] : memref<10000x64xf32, #tpu.memory_space<hbm>> -> memref<10000x64xf32, #tpu.memory_space<hbm>>
      tpu.wait_indirect_dma semaphore(%arg11 : memref<!tpu.dma_semaphore, #tpu.memory_space<semaphore_mem>>) src(%dma_wait3A_29 : memref<10000x64xf32, #tpu.memory_space<hbm>>) dst(%arg9 : memref<80x64xf32, #tpu.memory_space<vmem>>)
      "tpu.region"() ({
        %run_scoped3A = tpu.sem_alloc : memref<!tpu.dma_semaphore, #tpu.memory_space<semaphore_mem>>
        %dma_start3A_31 = arith.constant 0 : i32
        %dma_start3A_32 = arith.constant 0 : i32
        %dma_start3A_33 = tpu.memref_slice %arg10[%dma_start3A_31, %dma_start3A_32] : memref<10000x64xf32, #tpu.memory_space<vmem_shared>> -> memref<10000x64xf32, #tpu.memory_space<vmem_shared>>
        tpu.enqueue_indirect_dma source(%arg9 : memref<80x64xf32, #tpu.memory_space<vmem>>) target(%dma_start3A_33 : memref<10000x64xf32, #tpu.memory_space<vmem_shared>>) offsets(%arg8 : memref<80xi32, #tpu.memory_space<vmem>>) semaphore(%run_scoped3A : memref<!tpu.dma_semaphore, #tpu.memory_space<semaphore_mem>>) {add = true}
        %dma_wait3A_34 = arith.constant 0 : i32
        %dma_wait3A_35 = arith.constant 0 : i32
        %dma_wait3A_36 = tpu.memref_slice %arg10[%dma_wait3A_34, %dma_wait3A_35] : memref<10000x64xf32, #tpu.memory_space<vmem_shared>> -> memref<10000x64xf32, #tpu.memory_space<vmem_shared>>
        tpu.wait_indirect_dma semaphore(%run_scoped3A : memref<!tpu.dma_semaphore, #tpu.memory_space<semaphore_mem>>) src(%arg9 : memref<80x64xf32, #tpu.memory_space<vmem>>) dst(%dma_wait3A_36 : memref<10000x64xf32, #tpu.memory_space<vmem_shared>>)
        tpu.yield
      }) : () -> ()
      %scan3A_30 = arith.constant 0 : i32
      scf.yield %scan3A_30 : i32
    }
    %scan3A_8 = arith.constant 125 : i32
    %barrier3A_9 = arith.constant 0 : index
    tpu.barrier barrier_id(%barrier3A_9)
    %mul3A_10 = arith.constant 624 : i32
    %mul3A_11 = arith.muli %arg1, %mul3A_10 : i32
    %mul3A_12 = arith.constant 624 : i32
    %mul3A_13 = arith.muli %arg1, %mul3A_12 : i32
    "tpu.region"() ({
      %run_scoped3A = tpu.sem_alloc : memref<!tpu.dma_semaphore, #tpu.memory_space<semaphore_mem>>
      %dma_start3A = arith.constant 0 : i32
      %dma_start3A_19 = tpu.memref_slice %arg6[%arg0, %mul3A_13, %dma_start3A] : memref<2x10000x64xf32, #tpu.memory_space<hbm>> -> memref<1x624x64xf32, #tpu.memory_space<hbm>>
      %dma_start3A_20 = tpu.memref_squeeze %dma_start3A_19 : memref<1x624x64xf32, #tpu.memory_space<hbm>> -> memref<624x64xf32, #tpu.memory_space<hbm>>
      %dma_start3A_21 = arith.constant 0 : i32
      %dma_start3A_22 = tpu.memref_slice %arg10[%mul3A_11, %dma_start3A_21] : memref<10000x64xf32, #tpu.memory_space<vmem_shared>> -> memref<624x64xf32, #tpu.memory_space<vmem_shared>>
      tpu.enqueue_dma source(%dma_start3A_22 : memref<624x64xf32, #tpu.memory_space<vmem_shared>>) target(%dma_start3A_20 : memref<624x64xf32, #tpu.memory_space<hbm>>) target_semaphore(%run_scoped3A : memref<!tpu.dma_semaphore, #tpu.memory_space<semaphore_mem>>)
      %dma_wait3A = arith.constant 0 : i32
      %dma_wait3A_23 = tpu.memref_slice %arg6[%arg0, %mul3A_13, %dma_wait3A] : memref<2x10000x64xf32, #tpu.memory_space<hbm>> -> memref<1x624x64xf32, #tpu.memory_space<hbm>>
      %dma_wait3A_24 = tpu.memref_squeeze %dma_wait3A_23 : memref<1x624x64xf32, #tpu.memory_space<hbm>> -> memref<624x64xf32, #tpu.memory_space<hbm>>
      %dma_wait3A_25 = arith.constant 0 : i32
      %dma_wait3A_26 = tpu.memref_slice %arg10[%mul3A_11, %dma_wait3A_25] : memref<10000x64xf32, #tpu.memory_space<vmem_shared>> -> memref<624x64xf32, #tpu.memory_space<vmem_shared>>
      tpu.wait_dma2 semaphore(%run_scoped3A : memref<!tpu.dma_semaphore, #tpu.memory_space<semaphore_mem>>) src(%dma_wait3A_26 : memref<624x64xf32, #tpu.memory_space<vmem_shared>>) dst(%dma_wait3A_24 : memref<624x64xf32, #tpu.memory_space<hbm>>)
      tpu.yield
    }) : () -> ()
    %eq3A_14 = arith.constant 0 : i32
    %eq3A_15 = arith.cmpi eq, %arg1, %eq3A_14 : i32
    %convert_element_type3A_16 = arith.extui %eq3A_15 : i1 to i32
    %cond3A_17 = arith.constant 0 : i32
    %cond3A_18 = arith.cmpi ne, %convert_element_type3A_16, %cond3A_17 : i32
    scf.if %cond3A_18 {
      "tpu.region"() ({
        %run_scoped3A = tpu.sem_alloc : memref<!tpu.dma_semaphore, #tpu.memory_space<semaphore_mem>>
        %dma_start3A = arith.constant 9984 : i32
        %dma_start3A_19 = arith.constant 0 : i32
        %dma_start3A_20 = tpu.memref_slice %arg6[%arg0, %dma_start3A, %dma_start3A_19] : memref<2x10000x64xf32, #tpu.memory_space<hbm>> -> memref<1x16x64xf32, #tpu.memory_space<hbm>>
        %dma_start3A_21 = tpu.memref_squeeze %dma_start3A_20 : memref<1x16x64xf32, #tpu.memory_space<hbm>> -> memref<16x64xf32, #tpu.memory_space<hbm>>
        %dma_start3A_22 = arith.constant 9984 : i32
        %dma_start3A_23 = arith.constant 0 : i32
        %dma_start3A_24 = tpu.memref_slice %arg10[%dma_start3A_22, %dma_start3A_23] : memref<10000x64xf32, #tpu.memory_space<vmem_shared>> -> memref<16x64xf32, #tpu.memory_space<vmem_shared>>
        tpu.enqueue_dma source(%dma_start3A_24 : memref<16x64xf32, #tpu.memory_space<vmem_shared>>) target(%dma_start3A_21 : memref<16x64xf32, #tpu.memory_space<hbm>>) target_semaphore(%run_scoped3A : memref<!tpu.dma_semaphore, #tpu.memory_space<semaphore_mem>>)
        %dma_wait3A = arith.constant 9984 : i32
        %dma_wait3A_25 = arith.constant 0 : i32
        %dma_wait3A_26 = tpu.memref_slice %arg6[%arg0, %dma_wait3A, %dma_wait3A_25] : memref<2x10000x64xf32, #tpu.memory_space<hbm>> -> memref<1x16x64xf32, #tpu.memory_space<hbm>>
        %dma_wait3A_27 = tpu.memref_squeeze %dma_wait3A_26 : memref<1x16x64xf32, #tpu.memory_space<hbm>> -> memref<16x64xf32, #tpu.memory_space<hbm>>
        %dma_wait3A_28 = arith.constant 9984 : i32
        %dma_wait3A_29 = arith.constant 0 : i32
        %dma_wait3A_30 = tpu.memref_slice %arg10[%dma_wait3A_28, %dma_wait3A_29] : memref<10000x64xf32, #tpu.memory_space<vmem_shared>> -> memref<16x64xf32, #tpu.memory_space<vmem_shared>>
        tpu.wait_dma2 semaphore(%run_scoped3A : memref<!tpu.dma_semaphore, #tpu.memory_space<semaphore_mem>>) src(%dma_wait3A_30 : memref<16x64xf32, #tpu.memory_space<vmem_shared>>) dst(%dma_wait3A_27 : memref<16x64xf32, #tpu.memory_space<hbm>>)
        tpu.yield
      }) : () -> ()
    } else {
    }
    return
  }
}

#map = affine_map<(d0, d1) -> (0)>
#map1 = affine_map<(d0, d1) -> (0, 0)>
#map2 = affine_map<(d0, d1) -> (0, 0, 0)>
module attributes {stable_mosaic.version = 14 : i64} {
  func.func @_agg_body(%arg0: i32, %arg1: i32, %arg2: memref<320000xi32, #tpu.memory_space<hbm>>, %arg3: memref<320000xi32, #tpu.memory_space<hbm>>, %arg4: memref<10000x64xf32, #tpu.memory_space<hbm>>, %arg5: memref<10000x64xf32, #tpu.memory_space<hbm>>, %arg6: memref<2x10000x64xf32, #tpu.memory_space<hbm>>, %arg7: memref<80xi32, #tpu.memory_space<vmem>>, %arg8: memref<80xi32, #tpu.memory_space<vmem>>, %arg9: memref<80x64xf32, #tpu.memory_space<vmem>>, %arg10: memref<10000x64xf32, #tpu.memory_space<vmem_shared>>, %arg11: memref<!tpu.dma_semaphore, #tpu.memory_space<semaphore_mem>>) attributes {dimension_semantics = [#tpu.dimension_semantics<core_parallel>, #tpu.dimension_semantics<subcore_parallel>], iteration_bounds = array<i64: 2, 16>, scalar_prefetch = 0 : i64, scratch_operands = 5 : i64, tpu.core_type = #tpu.core_type<sc_vector_subcore>, window_params = [{transform_indices = #map}, {transform_indices = #map}, {transform_indices = #map1}, {transform_indices = #map1}, {transform_indices = #map2}]} {
    %mul3A = arith.constant 16 : i32
    %mul3A_0 = arith.muli %arg0, %mul3A : i32
    %add3A = arith.addi %mul3A_0, %arg1 : i32
    %eq3A = arith.constant 0 : i32
    %eq3A_1 = arith.cmpi eq, %arg1, %eq3A : i32
    %convert_element_type3A = arith.extui %eq3A_1 : i1 to i32
    %cond3A = arith.constant 0 : i32
    %cond3A_2 = arith.cmpi ne, %convert_element_type3A, %cond3A : i32
    scf.if %cond3A_2 {
      "tpu.region"() ({
        %run_scoped3A = tpu.sem_alloc : memref<!tpu.dma_semaphore, #tpu.memory_space<semaphore_mem>>
        tpu.enqueue_dma source(%arg5 : memref<10000x64xf32, #tpu.memory_space<hbm>>) target(%arg10 : memref<10000x64xf32, #tpu.memory_space<vmem_shared>>) target_semaphore(%run_scoped3A : memref<!tpu.dma_semaphore, #tpu.memory_space<semaphore_mem>>)
        tpu.wait_dma2 semaphore(%run_scoped3A : memref<!tpu.dma_semaphore, #tpu.memory_space<semaphore_mem>>) src(%arg5 : memref<10000x64xf32, #tpu.memory_space<hbm>>) dst(%arg10 : memref<10000x64xf32, #tpu.memory_space<vmem_shared>>)
        tpu.yield
      }) : () -> ()
    } else {
    }
    %barrier3A = arith.constant 0 : index
    tpu.barrier barrier_id(%barrier3A)
    %scan3A = arith.constant 0 : i32
    %scan3A_3 = arith.constant 0 : i32
    %scan3A_4 = arith.constant 125 : i32
    %scan3A_5 = arith.addi %scan3A_3, %scan3A_4 : i32
    %scan3A_6 = arith.constant 1 : i32
    %scan3A_7 = scf.for %scan3A_19 = %scan3A_3 to %scan3A_5 step %scan3A_6 iter_args(%scan3A_20 = %scan3A) -> (i32)  : i32 {
      %mul3A_21 = arith.constant 10000 : i32
      %mul3A_22 = arith.muli %add3A, %mul3A_21 : i32
      %mul3A_23 = arith.constant 80 : i32
      %mul3A_24 = arith.muli %scan3A_19, %mul3A_23 : i32
      %add3A_25 = arith.addi %mul3A_22, %mul3A_24 : i32
      "tpu.region"() ({
        %run_scoped3A = tpu.sem_alloc : memref<!tpu.dma_semaphore, #tpu.memory_space<semaphore_mem>>
        %dma_start3A_31 = tpu.memref_slice %arg2[%add3A_25] : memref<320000xi32, #tpu.memory_space<hbm>> -> memref<80xi32, #tpu.memory_space<hbm>>
        %dma_start3A_32 = tpu.memref_slice %arg2[%add3A_25] : memref<320000xi32, #tpu.memory_space<hbm>> -> memref<80xi32, #tpu.memory_space<hbm>>
        tpu.enqueue_dma source(%dma_start3A_32 : memref<80xi32, #tpu.memory_space<hbm>>) target(%arg7 : memref<80xi32, #tpu.memory_space<vmem>>) target_semaphore(%run_scoped3A : memref<!tpu.dma_semaphore, #tpu.memory_space<semaphore_mem>>)
        %dma_wait3A_33 = tpu.memref_slice %arg2[%add3A_25] : memref<320000xi32, #tpu.memory_space<hbm>> -> memref<80xi32, #tpu.memory_space<hbm>>
        %dma_wait3A_34 = tpu.memref_slice %arg2[%add3A_25] : memref<320000xi32, #tpu.memory_space<hbm>> -> memref<80xi32, #tpu.memory_space<hbm>>
        tpu.wait_dma2 semaphore(%run_scoped3A : memref<!tpu.dma_semaphore, #tpu.memory_space<semaphore_mem>>) src(%dma_wait3A_34 : memref<80xi32, #tpu.memory_space<hbm>>) dst(%arg7 : memref<80xi32, #tpu.memory_space<vmem>>)
        tpu.yield
      }) : () -> ()
      "tpu.region"() ({
        %run_scoped3A = tpu.sem_alloc : memref<!tpu.dma_semaphore, #tpu.memory_space<semaphore_mem>>
        %dma_start3A_31 = tpu.memref_slice %arg3[%add3A_25] : memref<320000xi32, #tpu.memory_space<hbm>> -> memref<80xi32, #tpu.memory_space<hbm>>
        %dma_start3A_32 = tpu.memref_slice %arg3[%add3A_25] : memref<320000xi32, #tpu.memory_space<hbm>> -> memref<80xi32, #tpu.memory_space<hbm>>
        tpu.enqueue_dma source(%dma_start3A_32 : memref<80xi32, #tpu.memory_space<hbm>>) target(%arg8 : memref<80xi32, #tpu.memory_space<vmem>>) target_semaphore(%run_scoped3A : memref<!tpu.dma_semaphore, #tpu.memory_space<semaphore_mem>>)
        %dma_wait3A_33 = tpu.memref_slice %arg3[%add3A_25] : memref<320000xi32, #tpu.memory_space<hbm>> -> memref<80xi32, #tpu.memory_space<hbm>>
        %dma_wait3A_34 = tpu.memref_slice %arg3[%add3A_25] : memref<320000xi32, #tpu.memory_space<hbm>> -> memref<80xi32, #tpu.memory_space<hbm>>
        tpu.wait_dma2 semaphore(%run_scoped3A : memref<!tpu.dma_semaphore, #tpu.memory_space<semaphore_mem>>) src(%dma_wait3A_34 : memref<80xi32, #tpu.memory_space<hbm>>) dst(%arg8 : memref<80xi32, #tpu.memory_space<vmem>>)
        tpu.yield
      }) : () -> ()
      %dma_start3A = arith.constant 0 : i32
      %dma_start3A_26 = arith.constant 0 : i32
      %dma_start3A_27 = tpu.memref_slice %arg4[%dma_start3A, %dma_start3A_26] : memref<10000x64xf32, #tpu.memory_space<hbm>> -> memref<10000x64xf32, #tpu.memory_space<hbm>>
      tpu.enqueue_indirect_dma source(%dma_start3A_27 : memref<10000x64xf32, #tpu.memory_space<hbm>>) target(%arg9 : memref<80x64xf32, #tpu.memory_space<vmem>>) offsets(%arg7 : memref<80xi32, #tpu.memory_space<vmem>>) semaphore(%arg11 : memref<!tpu.dma_semaphore, #tpu.memory_space<semaphore_mem>>)
      %dma_wait3A = arith.constant 0 : i32
      %dma_wait3A_28 = arith.constant 0 : i32
      %dma_wait3A_29 = tpu.memref_slice %arg4[%dma_wait3A, %dma_wait3A_28] : memref<10000x64xf32, #tpu.memory_space<hbm>> -> memref<10000x64xf32, #tpu.memory_space<hbm>>
      tpu.wait_indirect_dma semaphore(%arg11 : memref<!tpu.dma_semaphore, #tpu.memory_space<semaphore_mem>>) src(%dma_wait3A_29 : memref<10000x64xf32, #tpu.memory_space<hbm>>) dst(%arg9 : memref<80x64xf32, #tpu.memory_space<vmem>>)
      "tpu.region"() ({
        %run_scoped3A = tpu.sem_alloc : memref<!tpu.dma_semaphore, #tpu.memory_space<semaphore_mem>>
        %dma_start3A_31 = arith.constant 0 : i32
        %dma_start3A_32 = arith.constant 0 : i32
        %dma_start3A_33 = tpu.memref_slice %arg10[%dma_start3A_31, %dma_start3A_32] : memref<10000x64xf32, #tpu.memory_space<vmem_shared>> -> memref<10000x64xf32, #tpu.memory_space<vmem_shared>>
        tpu.enqueue_indirect_dma source(%arg9 : memref<80x64xf32, #tpu.memory_space<vmem>>) target(%dma_start3A_33 : memref<10000x64xf32, #tpu.memory_space<vmem_shared>>) offsets(%arg8 : memref<80xi32, #tpu.memory_space<vmem>>) semaphore(%run_scoped3A : memref<!tpu.dma_semaphore, #tpu.memory_space<semaphore_mem>>) {add = true}
        %dma_wait3A_34 = arith.constant 0 : i32
        %dma_wait3A_35 = arith.constant 0 : i32
        %dma_wait3A_36 = tpu.memref_slice %arg10[%dma_wait3A_34, %dma_wait3A_35] : memref<10000x64xf32, #tpu.memory_space<vmem_shared>> -> memref<10000x64xf32, #tpu.memory_space<vmem_shared>>
        tpu.wait_indirect_dma semaphore(%run_scoped3A : memref<!tpu.dma_semaphore, #tpu.memory_space<semaphore_mem>>) src(%arg9 : memref<80x64xf32, #tpu.memory_space<vmem>>) dst(%dma_wait3A_36 : memref<10000x64xf32, #tpu.memory_space<vmem_shared>>)
        tpu.yield
      }) : () -> ()
      %scan3A_30 = arith.constant 0 : i32
      scf.yield %scan3A_30 : i32
    }
    %scan3A_8 = arith.constant 125 : i32
    %barrier3A_9 = arith.constant 0 : index
    tpu.barrier barrier_id(%barrier3A_9)
    %mul3A_10 = arith.constant 624 : i32
    %mul3A_11 = arith.muli %arg1, %mul3A_10 : i32
    %mul3A_12 = arith.constant 624 : i32
    %mul3A_13 = arith.muli %arg1, %mul3A_12 : i32
    "tpu.region"() ({
      %run_scoped3A = tpu.sem_alloc : memref<!tpu.dma_semaphore, #tpu.memory_space<semaphore_mem>>
      %dma_start3A = arith.constant 0 : i32
      %dma_start3A_19 = tpu.memref_slice %arg6[%arg0, %mul3A_13, %dma_start3A] : memref<2x10000x64xf32, #tpu.memory_space<hbm>> -> memref<1x624x64xf32, #tpu.memory_space<hbm>>
      %dma_start3A_20 = tpu.memref_squeeze %dma_start3A_19 : memref<1x624x64xf32, #tpu.memory_space<hbm>> -> memref<624x64xf32, #tpu.memory_space<hbm>>
      %dma_start3A_21 = arith.constant 0 : i32
      %dma_start3A_22 = tpu.memref_slice %arg10[%mul3A_11, %dma_start3A_21] : memref<10000x64xf32, #tpu.memory_space<vmem_shared>> -> memref<624x64xf32, #tpu.memory_space<vmem_shared>>
      tpu.enqueue_dma source(%dma_start3A_22 : memref<624x64xf32, #tpu.memory_space<vmem_shared>>) target(%dma_start3A_20 : memref<624x64xf32, #tpu.memory_space<hbm>>) target_semaphore(%run_scoped3A : memref<!tpu.dma_semaphore, #tpu.memory_space<semaphore_mem>>)
      %dma_wait3A = arith.constant 0 : i32
      %dma_wait3A_23 = tpu.memref_slice %arg6[%arg0, %mul3A_13, %dma_wait3A] : memref<2x10000x64xf32, #tpu.memory_space<hbm>> -> memref<1x624x64xf32, #tpu.memory_space<hbm>>
      %dma_wait3A_24 = tpu.memref_squeeze %dma_wait3A_23 : memref<1x624x64xf32, #tpu.memory_space<hbm>> -> memref<624x64xf32, #tpu.memory_space<hbm>>
      %dma_wait3A_25 = arith.constant 0 : i32
      %dma_wait3A_26 = tpu.memref_slice %arg10[%mul3A_11, %dma_wait3A_25] : memref<10000x64xf32, #tpu.memory_space<vmem_shared>> -> memref<624x64xf32, #tpu.memory_space<vmem_shared>>
      tpu.wait_dma2 semaphore(%run_scoped3A : memref<!tpu.dma_semaphore, #tpu.memory_space<semaphore_mem>>) src(%dma_wait3A_26 : memref<624x64xf32, #tpu.memory_space<vmem_shared>>) dst(%dma_wait3A_24 : memref<624x64xf32, #tpu.memory_space<hbm>>)
      tpu.yield
    }) : () -> ()
    %eq3A_14 = arith.constant 0 : i32
    %eq3A_15 = arith.cmpi eq, %arg1, %eq3A_14 : i32
    %convert_element_type3A_16 = arith.extui %eq3A_15 : i1 to i32
    %cond3A_17 = arith.constant 0 : i32
    %cond3A_18 = arith.cmpi ne, %convert_element_type3A_16, %cond3A_17 : i32
    scf.if %cond3A_18 {
      "tpu.region"() ({
        %run_scoped3A = tpu.sem_alloc : memref<!tpu.dma_semaphore, #tpu.memory_space<semaphore_mem>>
        %dma_start3A = arith.constant 9984 : i32
        %dma_start3A_19 = arith.constant 0 : i32
        %dma_start3A_20 = tpu.memref_slice %arg6[%arg0, %dma_start3A, %dma_start3A_19] : memref<2x10000x64xf32, #tpu.memory_space<hbm>> -> memref<1x16x64xf32, #tpu.memory_space<hbm>>
        %dma_start3A_21 = tpu.memref_squeeze %dma_start3A_20 : memref<1x16x64xf32, #tpu.memory_space<hbm>> -> memref<16x64xf32, #tpu.memory_space<hbm>>
        %dma_start3A_22 = arith.constant 9984 : i32
        %dma_start3A_23 = arith.constant 0 : i32
        %dma_start3A_24 = tpu.memref_slice %arg10[%dma_start3A_22, %dma_start3A_23] : memref<10000x64xf32, #tpu.memory_space<vmem_shared>> -> memref<16x64xf32, #tpu.memory_space<vmem_shared>>
        tpu.enqueue_dma source(%dma_start3A_24 : memref<16x64xf32, #tpu.memory_space<vmem_shared>>) target(%dma_start3A_21 : memref<16x64xf32, #tpu.memory_space<hbm>>) target_semaphore(%run_scoped3A : memref<!tpu.dma_semaphore, #tpu.memory_space<semaphore_mem>>)
        %dma_wait3A = arith.constant 9984 : i32
        %dma_wait3A_25 = arith.constant 0 : i32
        %dma_wait3A_26 = tpu.memref_slice %arg6[%arg0, %dma_wait3A, %dma_wait3A_25] : memref<2x10000x64xf32, #tpu.memory_space<hbm>> -> memref<1x16x64xf32, #tpu.memory_space<hbm>>
        %dma_wait3A_27 = tpu.memref_squeeze %dma_wait3A_26 : memref<1x16x64xf32, #tpu.memory_space<hbm>> -> memref<16x64xf32, #tpu.memory_space<hbm>>
        %dma_wait3A_28 = arith.constant 9984 : i32
        %dma_wait3A_29 = arith.constant 0 : i32
        %dma_wait3A_30 = tpu.memref_slice %arg10[%dma_wait3A_28, %dma_wait3A_29] : memref<10000x64xf32, #tpu.memory_space<vmem_shared>> -> memref<16x64xf32, #tpu.memory_space<vmem_shared>>
        tpu.wait_dma2 semaphore(%run_scoped3A : memref<!tpu.dma_semaphore, #tpu.memory_space<semaphore_mem>>) src(%dma_wait3A_30 : memref<16x64xf32, #tpu.memory_space<vmem_shared>>) dst(%dma_wait3A_27 : memref<16x64xf32, #tpu.memory_space<hbm>>)
        tpu.yield
      }) : () -> ()
    } else {
    }
    return
  }
}

#map = affine_map<(d0, d1) -> (0)>
#map1 = affine_map<(d0, d1) -> (0, 0)>
module attributes {stable_mosaic.version = 14 : i64} {
  func.func @_dec_body(%arg0: i32, %arg1: i32, %arg2: memref<640000xi32, #tpu.memory_space<hbm>>, %arg3: memref<640000xi32, #tpu.memory_space<hbm>>, %arg4: memref<10000x64xf32, #tpu.memory_space<hbm>>, %arg5: memref<10000x64xf32, #tpu.memory_space<hbm>>, %arg6: memref<16xf32, #tpu.memory_space<hbm>>, %arg7: memref<640000xf32, #tpu.memory_space<hbm>>, %arg8: memref<80xi32, #tpu.memory_space<vmem>>, %arg9: memref<80xi32, #tpu.memory_space<vmem>>, %arg10: memref<80x64xf32, #tpu.memory_space<vmem>>, %arg11: memref<80x64xf32, #tpu.memory_space<vmem>>, %arg12: memref<80xf32, #tpu.memory_space<vmem>>, %arg13: memref<256xf32, #tpu.memory_space<vmem>>, %arg14: memref<16xf32, #tpu.memory_space<vmem>>, %arg15: memref<!tpu.dma_semaphore, #tpu.memory_space<semaphore_mem>>, %arg16: memref<!tpu.dma_semaphore, #tpu.memory_space<semaphore_mem>>) attributes {dimension_semantics = [#tpu.dimension_semantics<core_parallel>, #tpu.dimension_semantics<subcore_parallel>], iteration_bounds = array<i64: 2, 16>, scalar_prefetch = 0 : i64, scratch_operands = 9 : i64, tpu.core_type = #tpu.core_type<sc_vector_subcore>, window_params = [{transform_indices = #map}, {transform_indices = #map}, {transform_indices = #map1}, {transform_indices = #map1}, {transform_indices = #map}, {transform_indices = #map}]} {
    %mul3A = arith.constant 16 : i32
    %mul3A_0 = arith.muli %arg0, %mul3A : i32
    %add3A = arith.addi %mul3A_0, %arg1 : i32
    "tpu.region"() ({
      %run_scoped3A = tpu.sem_alloc : memref<!tpu.dma_semaphore, #tpu.memory_space<semaphore_mem>>
      tpu.enqueue_dma source(%arg6 : memref<16xf32, #tpu.memory_space<hbm>>) target(%arg14 : memref<16xf32, #tpu.memory_space<vmem>>) target_semaphore(%run_scoped3A : memref<!tpu.dma_semaphore, #tpu.memory_space<semaphore_mem>>)
      tpu.wait_dma2 semaphore(%run_scoped3A : memref<!tpu.dma_semaphore, #tpu.memory_space<semaphore_mem>>) src(%arg6 : memref<16xf32, #tpu.memory_space<hbm>>) dst(%arg14 : memref<16xf32, #tpu.memory_space<vmem>>)
      tpu.yield
    }) : () -> ()
    %get3A = arith.constant 0 : index
    %get3A_1 = tpu.vector_load %arg14[%get3A] {strides = array<i32>} : memref<16xf32, #tpu.memory_space<vmem>>, vector<16xf32>,
    %iota3A = tpu.iota {dimensions = array<i32: 0>} : vector<16xi32>
    %mul3A_2 = arith.constant 16 : i32
    %mul3A_3 = vector.broadcast %mul3A_2 : i32 to vector<16xi32>
    %mul3A_4 = arith.muli %iota3A, %mul3A_3 : vector<16xi32>
    %scan3A = arith.constant 0 : i32
    %scan3A_5 = arith.constant 0 : i32
    %scan3A_6 = arith.constant 250 : i32
    %scan3A_7 = arith.addi %scan3A_5, %scan3A_6 : i32
    %scan3A_8 = arith.constant 1 : i32
    %scan3A_9 = scf.for %scan3A_11 = %scan3A_5 to %scan3A_7 step %scan3A_8 iter_args(%scan3A_12 = %scan3A) -> (i32)  : i32 {
      %mul3A_13 = arith.constant 20000 : i32
      %mul3A_14 = arith.muli %add3A, %mul3A_13 : i32
      %mul3A_15 = arith.constant 80 : i32
      %mul3A_16 = arith.muli %scan3A_11, %mul3A_15 : i32
      %add3A_17 = arith.addi %mul3A_14, %mul3A_16 : i32
      "tpu.region"() ({
        %run_scoped3A = tpu.sem_alloc : memref<!tpu.dma_semaphore, #tpu.memory_space<semaphore_mem>>
        %dma_start3A_36 = tpu.memref_slice %arg2[%add3A_17] : memref<640000xi32, #tpu.memory_space<hbm>> -> memref<80xi32, #tpu.memory_space<hbm>>
        %dma_start3A_37 = tpu.memref_slice %arg2[%add3A_17] : memref<640000xi32, #tpu.memory_space<hbm>> -> memref<80xi32, #tpu.memory_space<hbm>>
        tpu.enqueue_dma source(%dma_start3A_37 : memref<80xi32, #tpu.memory_space<hbm>>) target(%arg8 : memref<80xi32, #tpu.memory_space<vmem>>) target_semaphore(%run_scoped3A : memref<!tpu.dma_semaphore, #tpu.memory_space<semaphore_mem>>)
        %dma_wait3A_38 = tpu.memref_slice %arg2[%add3A_17] : memref<640000xi32, #tpu.memory_space<hbm>> -> memref<80xi32, #tpu.memory_space<hbm>>
        %dma_wait3A_39 = tpu.memref_slice %arg2[%add3A_17] : memref<640000xi32, #tpu.memory_space<hbm>> -> memref<80xi32, #tpu.memory_space<hbm>>
        tpu.wait_dma2 semaphore(%run_scoped3A : memref<!tpu.dma_semaphore, #tpu.memory_space<semaphore_mem>>) src(%dma_wait3A_39 : memref<80xi32, #tpu.memory_space<hbm>>) dst(%arg8 : memref<80xi32, #tpu.memory_space<vmem>>)
        tpu.yield
      }) : () -> ()
      "tpu.region"() ({
        %run_scoped3A = tpu.sem_alloc : memref<!tpu.dma_semaphore, #tpu.memory_space<semaphore_mem>>
        %dma_start3A_36 = tpu.memref_slice %arg3[%add3A_17] : memref<640000xi32, #tpu.memory_space<hbm>> -> memref<80xi32, #tpu.memory_space<hbm>>
        %dma_start3A_37 = tpu.memref_slice %arg3[%add3A_17] : memref<640000xi32, #tpu.memory_space<hbm>> -> memref<80xi32, #tpu.memory_space<hbm>>
        tpu.enqueue_dma source(%dma_start3A_37 : memref<80xi32, #tpu.memory_space<hbm>>) target(%arg9 : memref<80xi32, #tpu.memory_space<vmem>>) target_semaphore(%run_scoped3A : memref<!tpu.dma_semaphore, #tpu.memory_space<semaphore_mem>>)
        %dma_wait3A_38 = tpu.memref_slice %arg3[%add3A_17] : memref<640000xi32, #tpu.memory_space<hbm>> -> memref<80xi32, #tpu.memory_space<hbm>>
        %dma_wait3A_39 = tpu.memref_slice %arg3[%add3A_17] : memref<640000xi32, #tpu.memory_space<hbm>> -> memref<80xi32, #tpu.memory_space<hbm>>
        tpu.wait_dma2 semaphore(%run_scoped3A : memref<!tpu.dma_semaphore, #tpu.memory_space<semaphore_mem>>) src(%dma_wait3A_39 : memref<80xi32, #tpu.memory_space<hbm>>) dst(%arg9 : memref<80xi32, #tpu.memory_space<vmem>>)
        tpu.yield
      }) : () -> ()
      %dma_start3A = arith.constant 0 : i32
      %dma_start3A_18 = arith.constant 0 : i32
      %dma_start3A_19 = tpu.memref_slice %arg4[%dma_start3A, %dma_start3A_18] : memref<10000x64xf32, #tpu.memory_space<hbm>> -> memref<10000x64xf32, #tpu.memory_space<hbm>>
      tpu.enqueue_indirect_dma source(%dma_start3A_19 : memref<10000x64xf32, #tpu.memory_space<hbm>>) target(%arg10 : memref<80x64xf32, #tpu.memory_space<vmem>>) offsets(%arg8 : memref<80xi32, #tpu.memory_space<vmem>>) semaphore(%arg15 : memref<!tpu.dma_semaphore, #tpu.memory_space<semaphore_mem>>)
      %dma_start3A_20 = arith.constant 0 : i32
      %dma_start3A_21 = arith.constant 0 : i32
      %dma_start3A_22 = tpu.memref_slice %arg5[%dma_start3A_20, %dma_start3A_21] : memref<10000x64xf32, #tpu.memory_space<hbm>> -> memref<10000x64xf32, #tpu.memory_space<hbm>>
      tpu.enqueue_indirect_dma source(%dma_start3A_22 : memref<10000x64xf32, #tpu.memory_space<hbm>>) target(%arg11 : memref<80x64xf32, #tpu.memory_space<vmem>>) offsets(%arg9 : memref<80xi32, #tpu.memory_space<vmem>>) semaphore(%arg16 : memref<!tpu.dma_semaphore, #tpu.memory_space<semaphore_mem>>)
      %dma_wait3A = arith.constant 0 : i32
      %dma_wait3A_23 = arith.constant 0 : i32
      %dma_wait3A_24 = tpu.memref_slice %arg4[%dma_wait3A, %dma_wait3A_23] : memref<10000x64xf32, #tpu.memory_space<hbm>> -> memref<10000x64xf32, #tpu.memory_space<hbm>>
      tpu.wait_indirect_dma semaphore(%arg15 : memref<!tpu.dma_semaphore, #tpu.memory_space<semaphore_mem>>) src(%dma_wait3A_24 : memref<10000x64xf32, #tpu.memory_space<hbm>>) dst(%arg10 : memref<80x64xf32, #tpu.memory_space<vmem>>)
      %dma_wait3A_25 = arith.constant 0 : i32
      %dma_wait3A_26 = arith.constant 0 : i32
      %dma_wait3A_27 = tpu.memref_slice %arg5[%dma_wait3A_25, %dma_wait3A_26] : memref<10000x64xf32, #tpu.memory_space<hbm>> -> memref<10000x64xf32, #tpu.memory_space<hbm>>
      tpu.wait_indirect_dma semaphore(%arg16 : memref<!tpu.dma_semaphore, #tpu.memory_space<semaphore_mem>>) src(%dma_wait3A_27 : memref<10000x64xf32, #tpu.memory_space<hbm>>) dst(%arg11 : memref<80x64xf32, #tpu.memory_space<vmem>>)
      %scan3A_28 = arith.constant 0 : i32
      %scan3A_29 = arith.constant 0 : i32
      %scan3A_30 = arith.constant 5 : i32
      %scan3A_31 = arith.addi %scan3A_29, %scan3A_30 : i32
      %scan3A_32 = arith.constant 1 : i32
      %scan3A_33 = scf.for %scan3A_36 = %scan3A_29 to %scan3A_31 step %scan3A_32 iter_args(%scan3A_37 = %scan3A_28) -> (i32)  : i32 {
        %scan3A_38 = arith.constant 0 : i32
        %scan3A_39 = arith.constant 0 : i32
        %scan3A_40 = arith.constant 16 : i32
        %scan3A_41 = arith.addi %scan3A_39, %scan3A_40 : i32
        %scan3A_42 = arith.constant 1 : i32
        %scan3A_43 = scf.for %scan3A_55 = %scan3A_39 to %scan3A_41 step %scan3A_42 iter_args(%scan3A_56 = %scan3A_38) -> (i32)  : i32 {
          %mul3A_57 = arith.constant 16 : i32
          %mul3A_58 = arith.muli %scan3A_36, %mul3A_57 : i32
          %add3A_59 = arith.addi %mul3A_58, %scan3A_55 : i32
          %get3A_60 = arith.index_cast %add3A_59 : i32 to index
          %get3A_61 = arith.constant 0 : index
          %get3A_62 = tpu.vector_load %arg10[%get3A_60, %get3A_61] {strides = array<i32>} : memref<80x64xf32, #tpu.memory_space<vmem>>, vector<16xf32>,
          %get3A_63 = arith.index_cast %add3A_59 : i32 to index
          %get3A_64 = arith.constant 0 : index
          %get3A_65 = tpu.vector_load %arg11[%get3A_63, %get3A_64] {strides = array<i32>} : memref<80x64xf32, #tpu.memory_space<vmem>>, vector<16xf32>,
          %mul3A_66 = arith.mulf %get3A_62, %get3A_65 : vector<16xf32>
          %get3A_67 = arith.index_cast %add3A_59 : i32 to index
          %get3A_68 = arith.constant 16 : index
          %get3A_69 = tpu.vector_load %arg10[%get3A_67, %get3A_68] {strides = array<i32>} : memref<80x64xf32, #tpu.memory_space<vmem>>, vector<16xf32>,
          %get3A_70 = arith.index_cast %add3A_59 : i32 to index
          %get3A_71 = arith.constant 16 : index
          %get3A_72 = tpu.vector_load %arg11[%get3A_70, %get3A_71] {strides = array<i32>} : memref<80x64xf32, #tpu.memory_space<vmem>>, vector<16xf32>,
          %mul3A_73 = arith.mulf %get3A_69, %get3A_72 : vector<16xf32>
          %add3A_74 = arith.addf %mul3A_66, %mul3A_73 : vector<16xf32>
          %get3A_75 = arith.index_cast %add3A_59 : i32 to index
          %get3A_76 = arith.constant 32 : index
          %get3A_77 = tpu.vector_load %arg10[%get3A_75, %get3A_76] {strides = array<i32>} : memref<80x64xf32, #tpu.memory_space<vmem>>, vector<16xf32>,
          %get3A_78 = arith.index_cast %add3A_59 : i32 to index
          %get3A_79 = arith.constant 32 : index
          %get3A_80 = tpu.vector_load %arg11[%get3A_78, %get3A_79] {strides = array<i32>} : memref<80x64xf32, #tpu.memory_space<vmem>>, vector<16xf32>,
          %mul3A_81 = arith.mulf %get3A_77, %get3A_80 : vector<16xf32>
          %add3A_82 = arith.addf %add3A_74, %mul3A_81 : vector<16xf32>
          %get3A_83 = arith.index_cast %add3A_59 : i32 to index
          %get3A_84 = arith.constant 48 : index
          %get3A_85 = tpu.vector_load %arg10[%get3A_83, %get3A_84] {strides = array<i32>} : memref<80x64xf32, #tpu.memory_space<vmem>>, vector<16xf32>,
          %get3A_86 = arith.index_cast %add3A_59 : i32 to index
          %get3A_87 = arith.constant 48 : index
          %get3A_88 = tpu.vector_load %arg11[%get3A_86, %get3A_87] {strides = array<i32>} : memref<80x64xf32, #tpu.memory_space<vmem>>, vector<16xf32>,
          %mul3A_89 = arith.mulf %get3A_85, %get3A_88 : vector<16xf32>
          %add3A_90 = arith.addf %add3A_82, %mul3A_89 : vector<16xf32>
          %add3A_91 = vector.broadcast %scan3A_55 : i32 to vector<16xi32>
          %add3A_92 = arith.addi %mul3A_4, %add3A_91 : vector<16xi32>
          tpu.vector_store_idx %arg13[%add3A_92], %add3A_90 : memref<256xf32, #tpu.memory_space<vmem>>[vector<16xi32>], vector<16xf32>,
          %scan3A_93 = arith.constant 0 : i32
          scf.yield %scan3A_93 : i32
        }
        %scan3A_44 = arith.constant 16 : i32
        %scan3A_45 = arith.constant 0 : i32
        %scan3A_46 = arith.constant 16 : i32
        %scan3A_47 = arith.addi %scan3A_45, %scan3A_46 : i32
        %scan3A_48 = arith.constant 1 : i32
        %scan3A_49 = scf.for %scan3A_55 = %scan3A_45 to %scan3A_47 step %scan3A_48 iter_args(%scan3A_56 = %get3A_1) -> (vector<16xf32>)  : i32 {
          %mul3A_57 = arith.constant 16 : i32
          %mul3A_58 = arith.muli %scan3A_55, %mul3A_57 : i32
          %get3A_59 = arith.index_cast %mul3A_58 : i32 to index
          %get3A_60 = tpu.vector_load %arg13[%get3A_59] {strides = array<i32>} : memref<256xf32, #tpu.memory_space<vmem>>, vector<16xf32>,
          %add3A_61 = arith.addf %scan3A_56, %get3A_60 : vector<16xf32>
          scf.yield %add3A_61 : vector<16xf32>
        }
        %scan3A_50 = arith.constant 16 : i32
        %mul3A_51 = arith.constant 16 : i32
        %mul3A_52 = arith.muli %scan3A_36, %mul3A_51 : i32
        %swap3A = arith.index_cast %mul3A_52 : i32 to index
        %swap3A_53 = tpu.vector_load %arg12[%swap3A] {strides = array<i32>} : memref<80xf32, #tpu.memory_space<vmem>>, vector<16xf32>,
        tpu.vector_store %arg12[%swap3A], %scan3A_49 {strides = array<i32>} : memref<80xf32, #tpu.memory_space<vmem>>, vector<16xf32>,
        %scan3A_54 = arith.constant 0 : i32
        scf.yield %scan3A_54 : i32
      }
      %scan3A_34 = arith.constant 5 : i32
      "tpu.region"() ({
        %run_scoped3A = tpu.sem_alloc : memref<!tpu.dma_semaphore, #tpu.memory_space<semaphore_mem>>
        %dma_start3A_36 = tpu.memref_slice %arg7[%add3A_17] : memref<640000xf32, #tpu.memory_space<hbm>> -> memref<80xf32, #tpu.memory_space<hbm>>
        %dma_start3A_37 = tpu.memref_slice %arg7[%add3A_17] : memref<640000xf32, #tpu.memory_space<hbm>> -> memref<80xf32, #tpu.memory_space<hbm>>
        tpu.enqueue_dma source(%arg12 : memref<80xf32, #tpu.memory_space<vmem>>) target(%dma_start3A_37 : memref<80xf32, #tpu.memory_space<hbm>>) target_semaphore(%run_scoped3A : memref<!tpu.dma_semaphore, #tpu.memory_space<semaphore_mem>>)
        %dma_wait3A_38 = tpu.memref_slice %arg7[%add3A_17] : memref<640000xf32, #tpu.memory_space<hbm>> -> memref<80xf32, #tpu.memory_space<hbm>>
        %dma_wait3A_39 = tpu.memref_slice %arg7[%add3A_17] : memref<640000xf32, #tpu.memory_space<hbm>> -> memref<80xf32, #tpu.memory_space<hbm>>
        tpu.wait_dma2 semaphore(%run_scoped3A : memref<!tpu.dma_semaphore, #tpu.memory_space<semaphore_mem>>) src(%arg12 : memref<80xf32, #tpu.memory_space<vmem>>) dst(%dma_wait3A_39 : memref<80xf32, #tpu.memory_space<hbm>>)
        tpu.yield
      }) : () -> ()
      %scan3A_35 = arith.constant 0 : i32
      scf.yield %scan3A_35 : i32
    }
    %scan3A_10 = arith.constant 250 : i32
    return
  }
}

module attributes {stable_mosaic.version = 14 : i64} {
  func.func @_tc1_body(%arg0: memref<10000x128xf32, #tpu.memory_space<vmem>>, %arg1: memref<128x64xf32, #tpu.memory_space<vmem>>, %arg2: memref<32x10000xf32, #tpu.memory_space<vmem>>, %arg3: memref<10000x64xf32, #tpu.memory_space<vmem>>, %arg4: memref<1x10000xf32, #tpu.memory_space<vmem>>) attributes {dimension_semantics = [], scalar_prefetch = 0 : i64, scratch_operands = 0 : i64, tpu.core_type = #tpu.core_type<tc>} {
    %get3A = arith.constant 0 : index
    %get3A_0 = arith.constant 0 : index
    %get3A_1 = vector.load %arg2[%get3A, %get3A_0] : memref<32x10000xf32, #tpu.memory_space<vmem>>, vector<32x10000xf32>
    %reduce_sum3A = arith.constant dense<0.000000e+00> : vector<10000xf32>
    %reduce_sum3A_2 = vector.multi_reduction <add>, %get3A_1, %reduce_sum3A [0] : vector<32x10000xf32> to vector<10000xf32>
    %broadcast_in_dim3A = vector.shape_cast %reduce_sum3A_2 : vector<10000xf32> to vector<1x10000xf32>
    %add3A = arith.constant 1.000000e+00 : f32
    %add3A_3 = vector.broadcast %add3A : f32 to vector<1x10000xf32>
    %add3A_4 = arith.addf %broadcast_in_dim3A, %add3A_3 : vector<1x10000xf32>
    %rsqrt3A = math.rsqrt %add3A_4 : vector<1x10000xf32>
    %swap3A = arith.constant 0 : index
    %swap3A_5 = arith.constant 0 : index
    %swap3A_6 = vector.load %arg4[%swap3A, %swap3A_5] : memref<1x10000xf32, #tpu.memory_space<vmem>>, vector<1x10000xf32>
    tpu.vector_store %arg4[%swap3A, %swap3A_5], %rsqrt3A {strides = array<i32>} : memref<1x10000xf32, #tpu.memory_space<vmem>>, vector<1x10000xf32>,
    %transpose3A = tpu.transpose %rsqrt3A, [1, 0] : vector<1x10000xf32> -> vector<10000x1xf32>
    %get3A_7 = arith.constant 0 : index
    %get3A_8 = arith.constant 0 : index
    %get3A_9 = vector.load %arg0[%get3A_7, %get3A_8] : memref<10000x128xf32, #tpu.memory_space<vmem>>, vector<10000x128xf32>
    %get3A_10 = arith.constant 0 : index
    %get3A_11 = arith.constant 0 : index
    %get3A_12 = vector.load %arg1[%get3A_10, %get3A_11] : memref<128x64xf32, #tpu.memory_space<vmem>>, vector<128x64xf32>
    %dot_general3A = arith.constant dense<0.000000e+00> : vector<10000x64xf32>
    %dot_general3A_13 = tpu.matmul %get3A_9, %get3A_12, %dot_general3A {dimension_numbers = #tpu.dot_dimension_numbers<[1], [0], [0], [1], [0, 0, 1, 1], [], []>, transpose_lhs_hint = false} : vector<10000x128xf32>, vector<128x64xf32>, vector<10000x64xf32> -> vector<10000x64xf32>
    %mul3A = vector.broadcast %transpose3A : vector<10000x1xf32> to vector<10000x64xf32>
    %mul3A_14 = arith.mulf %dot_general3A_13, %mul3A : vector<10000x64xf32>
    %swap3A_15 = arith.constant 0 : index
    %swap3A_16 = arith.constant 0 : index
    %swap3A_17 = vector.load %arg3[%swap3A_15, %swap3A_16] : memref<10000x64xf32, #tpu.memory_space<vmem>>, vector<10000x64xf32>
    tpu.vector_store %arg3[%swap3A_15, %swap3A_16], %mul3A_14 {strides = array<i32>} : memref<10000x64xf32, #tpu.memory_space<vmem>>, vector<10000x64xf32>,
    return
  }
}

module attributes {stable_mosaic.version = 14 : i64} {
  func.func @_tc2_body(%arg0: memref<2x10000x64xf32, #tpu.memory_space<vmem>>, %arg1: memref<10000x64xf32, #tpu.memory_space<vmem>>, %arg2: memref<1x10000xf32, #tpu.memory_space<vmem>>, %arg3: memref<1x64xf32, #tpu.memory_space<vmem>>, %arg4: memref<64x64xf32, #tpu.memory_space<vmem>>, %arg5: memref<10000x64xf32, #tpu.memory_space<vmem>>) attributes {dimension_semantics = [], scalar_prefetch = 0 : i64, scratch_operands = 0 : i64, tpu.core_type = #tpu.core_type<tc>} {
    %get3A = arith.constant 0 : index
    %get3A_0 = arith.constant 0 : index
    %get3A_1 = arith.constant 0 : index
    %get3A_2 = vector.load %arg0[%get3A, %get3A_0, %get3A_1] : memref<2x10000x64xf32, #tpu.memory_space<vmem>>, vector<1x10000x64xf32>
    %get3A_3 = vector.shape_cast %get3A_2 : vector<1x10000x64xf32> to vector<10000x64xf32>
    %get3A_4 = arith.constant 1 : index
    %get3A_5 = arith.constant 0 : index
    %get3A_6 = arith.constant 0 : index
    %get3A_7 = vector.load %arg0[%get3A_4, %get3A_5, %get3A_6] : memref<2x10000x64xf32, #tpu.memory_space<vmem>>, vector<1x10000x64xf32>
    %get3A_8 = vector.shape_cast %get3A_7 : vector<1x10000x64xf32> to vector<10000x64xf32>
    %add3A = arith.addf %get3A_3, %get3A_8 : vector<10000x64xf32>
    %get3A_9 = arith.constant 0 : index
    %get3A_10 = arith.constant 0 : index
    %get3A_11 = vector.load %arg1[%get3A_9, %get3A_10] : memref<10000x64xf32, #tpu.memory_space<vmem>>, vector<10000x64xf32>
    %add3A_12 = arith.addf %add3A, %get3A_11 : vector<10000x64xf32>
    %get3A_13 = arith.constant 0 : index
    %get3A_14 = arith.constant 0 : index
    %get3A_15 = vector.load %arg2[%get3A_13, %get3A_14] : memref<1x10000xf32, #tpu.memory_space<vmem>>, vector<1x10000xf32>
    %transpose3A = tpu.transpose %get3A_15, [1, 0] : vector<1x10000xf32> -> vector<10000x1xf32>
    %mul3A = vector.broadcast %transpose3A : vector<10000x1xf32> to vector<10000x64xf32>
    %mul3A_16 = arith.mulf %add3A_12, %mul3A : vector<10000x64xf32>
    %get3A_17 = arith.constant 0 : index
    %get3A_18 = arith.constant 0 : index
    %get3A_19 = vector.load %arg3[%get3A_17, %get3A_18] : memref<1x64xf32, #tpu.memory_space<vmem>>, vector<1x64xf32>
    %add3A_20 = vector.broadcast %get3A_19 : vector<1x64xf32> to vector<10000x64xf32>
    %add3A_21 = arith.addf %mul3A_16, %add3A_20 : vector<10000x64xf32>
    %max3A = arith.constant 0.000000e+00 : f32
    %max3A_22 = vector.broadcast %max3A : f32 to vector<10000x64xf32>
    %max3A_23 = arith.maximumf %add3A_21, %max3A_22 : vector<10000x64xf32>
    %get3A_24 = arith.constant 0 : index
    %get3A_25 = arith.constant 0 : index
    %get3A_26 = vector.load %arg4[%get3A_24, %get3A_25] : memref<64x64xf32, #tpu.memory_space<vmem>>, vector<64x64xf32>
    %dot_general3A = arith.constant dense<0.000000e+00> : vector<10000x64xf32>
    %dot_general3A_27 = tpu.matmul %max3A_23, %get3A_26, %dot_general3A {dimension_numbers = #tpu.dot_dimension_numbers<[1], [0], [0], [1], [0, 0, 1, 1], [], []>, transpose_lhs_hint = false} : vector<10000x64xf32>, vector<64x64xf32>, vector<10000x64xf32> -> vector<10000x64xf32>
    %mul3A_28 = vector.broadcast %transpose3A : vector<10000x1xf32> to vector<10000x64xf32>
    %mul3A_29 = arith.mulf %dot_general3A_27, %mul3A_28 : vector<10000x64xf32>
    %swap3A = arith.constant 0 : index
    %swap3A_30 = arith.constant 0 : index
    %swap3A_31 = vector.load %arg5[%swap3A, %swap3A_30] : memref<10000x64xf32, #tpu.memory_space<vmem>>, vector<10000x64xf32>
    tpu.vector_store %arg5[%swap3A, %swap3A_30], %mul3A_29 {strides = array<i32>} : memref<10000x64xf32, #tpu.memory_space<vmem>>, vector<10000x64xf32>,
    return
  }
}

module attributes {stable_mosaic.version = 14 : i64} {
  func.func @_tc3_body(%arg0: memref<2x10000x64xf32, #tpu.memory_space<vmem>>, %arg1: memref<10000x64xf32, #tpu.memory_space<vmem>>, %arg2: memref<1x10000xf32, #tpu.memory_space<vmem>>, %arg3: memref<1x64xf32, #tpu.memory_space<vmem>>, %arg4: memref<1x64xf32, #tpu.memory_space<vmem>>, %arg5: memref<10000x64xf32, #tpu.memory_space<vmem>>, %arg6: memref<10000x64xf32, #tpu.memory_space<vmem>>) attributes {dimension_semantics = [], scalar_prefetch = 0 : i64, scratch_operands = 0 : i64, tpu.core_type = #tpu.core_type<tc>} {
    %get3A = arith.constant 0 : index
    %get3A_0 = arith.constant 0 : index
    %get3A_1 = arith.constant 0 : index
    %get3A_2 = vector.load %arg0[%get3A, %get3A_0, %get3A_1] : memref<2x10000x64xf32, #tpu.memory_space<vmem>>, vector<1x10000x64xf32>
    %get3A_3 = vector.shape_cast %get3A_2 : vector<1x10000x64xf32> to vector<10000x64xf32>
    %get3A_4 = arith.constant 1 : index
    %get3A_5 = arith.constant 0 : index
    %get3A_6 = arith.constant 0 : index
    %get3A_7 = vector.load %arg0[%get3A_4, %get3A_5, %get3A_6] : memref<2x10000x64xf32, #tpu.memory_space<vmem>>, vector<1x10000x64xf32>
    %get3A_8 = vector.shape_cast %get3A_7 : vector<1x10000x64xf32> to vector<10000x64xf32>
    %add3A = arith.addf %get3A_3, %get3A_8 : vector<10000x64xf32>
    %get3A_9 = arith.constant 0 : index
    %get3A_10 = arith.constant 0 : index
    %get3A_11 = vector.load %arg1[%get3A_9, %get3A_10] : memref<10000x64xf32, #tpu.memory_space<vmem>>, vector<10000x64xf32>
    %add3A_12 = arith.addf %add3A, %get3A_11 : vector<10000x64xf32>
    %get3A_13 = arith.constant 0 : index
    %get3A_14 = arith.constant 0 : index
    %get3A_15 = vector.load %arg2[%get3A_13, %get3A_14] : memref<1x10000xf32, #tpu.memory_space<vmem>>, vector<1x10000xf32>
    %transpose3A = tpu.transpose %get3A_15, [1, 0] : vector<1x10000xf32> -> vector<10000x1xf32>
    %mul3A = vector.broadcast %transpose3A : vector<10000x1xf32> to vector<10000x64xf32>
    %mul3A_16 = arith.mulf %add3A_12, %mul3A : vector<10000x64xf32>
    %get3A_17 = arith.constant 0 : index
    %get3A_18 = arith.constant 0 : index
    %get3A_19 = vector.load %arg3[%get3A_17, %get3A_18] : memref<1x64xf32, #tpu.memory_space<vmem>>, vector<1x64xf32>
    %add3A_20 = vector.broadcast %get3A_19 : vector<1x64xf32> to vector<10000x64xf32>
    %add3A_21 = arith.addf %mul3A_16, %add3A_20 : vector<10000x64xf32>
    %max3A = arith.constant 0.000000e+00 : f32
    %max3A_22 = vector.broadcast %max3A : f32 to vector<10000x64xf32>
    %max3A_23 = arith.maximumf %add3A_21, %max3A_22 : vector<10000x64xf32>
    %swap3A = arith.constant 0 : index
    %swap3A_24 = arith.constant 0 : index
    %swap3A_25 = vector.load %arg5[%swap3A, %swap3A_24] : memref<10000x64xf32, #tpu.memory_space<vmem>>, vector<10000x64xf32>
    tpu.vector_store %arg5[%swap3A, %swap3A_24], %max3A_23 {strides = array<i32>} : memref<10000x64xf32, #tpu.memory_space<vmem>>, vector<10000x64xf32>,
    %get3A_26 = arith.constant 0 : index
    %get3A_27 = arith.constant 0 : index
    %get3A_28 = vector.load %arg4[%get3A_26, %get3A_27] : memref<1x64xf32, #tpu.memory_space<vmem>>, vector<1x64xf32>
    %mul3A_29 = vector.broadcast %get3A_28 : vector<1x64xf32> to vector<10000x64xf32>
    %mul3A_30 = arith.mulf %max3A_23, %mul3A_29 : vector<10000x64xf32>
    %swap3A_31 = arith.constant 0 : index
    %swap3A_32 = arith.constant 0 : index
    %swap3A_33 = vector.load %arg6[%swap3A_31, %swap3A_32] : memref<10000x64xf32, #tpu.memory_space<vmem>>, vector<10000x64xf32>
    tpu.vector_store %arg6[%swap3A_31, %swap3A_32], %mul3A_30 {strides = array<i32>} : memref<10000x64xf32, #tpu.memory_space<vmem>>, vector<10000x64xf32>,
    return
  }
}

</mosaic_0001>

<sc_bundles>
// kernel: kernel.12.cloned.1.call-start
scs
__scs_entry_jumppad:
0x0: {  	(pc) =	sbr.rel $0x88, $3  }
0x1: {  	(tag) =	ssettag $0x0;
	lr =	simm.s32 $0x1  }
0x2: {  	[smem:$0x3F97] =	sst lr;
	_ =	strace $0xD0000000  }
0x3: {  	_ = 	snop  }
0x4: {  	_ = 	snop  }
0x5: {  	_ = 	snop  }
0x6: {  	_ = 	snop  }
0x7: {  	_ = 	snop  }
__scs_overlays_trampoline_lowered:
0x8: {  	[smem:$0x3FA6] =	sst s0  }
0x9: {  	[smem:$0x3FA7] =	sst s1  }
0xa: {  	[smem:$0x3FA8] =	sst s2  }
0xb: {  	[smem:$0x3FA9] =	sst s3  }
0xc: {  	[smem:$0x3FAA] =	sst s4  }
0xd: {  	[smem:$0x3FAB] =	sst s5  }
0xe: {  	[smem:$0x3FAC] =	sst s6  }
0xf: {  	[smem:$0x3FAD] =	sst s7  }
0x10: {  	[smem:$0x3FAE] =	sst s8  }
0x11: {  	[smem:$0x3FAF] =	sst s9;
	s0 =	simm.s32 @!p0 $0x0  }
0x12: {  	s1 =	sld [smem:$0x3F95];
	s0 =	simm.s32 @p0 $0x1  }
0x13: {  	[smem:$0x3FB0] =	sst s0;
	s0 =	simm.s32 @!p1 $0x0  }
0x14: {  	s2 =	sld [smem:$0x3F94];
	s0 =	simm.s32 @p1 $0x1  }
0x15: {  	[smem:$0x3FB1] =	sst s0;
	s0 =	simm.s32 @!p2 $0x0  }
0x16: {  	s3 =	sld [smem:$0x3FDB];
	s0 =	simm.s32 @p2 $0x1  }
0x17: {  	s4 =	simm.s32 $0x1BF5;
	[smem:$0x3FB3] =	sst s0  }
0x18: {  	s0 =	sld [smem:$0x3F96];
	_ =	swait.ge [sflag:s4], $0x0  }
0x19: {  	s7 =	sld [smem:$0x3F97]  }
0x1a: {  	s8 =	sadd.s32 $0xFFFFE003, lr  }
0x1b: {  	s9 =	sadd.s32 $0xFFFFFEF7, lr;
	s5 =	simm.s32 $0xFFFFFFFF;
	p2 =	slt.u32 s8, $0xFFFFF086  }
0x1c: {  	p1 =	slt.u32 s9, $0xF7A;
	s5 =	simm.s32 @!p2 $0x0  }
0x1d: {  	s5 =	simm.s32 @p1 $0x1;
	p0 =	seq.s32 s7, s2  }
0x1e: {  	s7 =	smul.u32 @!p0 $0xF7A, s2;
	p2 =	seq.s32 @!p0 s5, $0x0  }
0x1f: {  	s9 =	smul.u32 $0xF7A, s1;
	s8 =	simm.s32 @!p0 $0x1BF5;
	p2 =	por !p2, p0  }
0x20: {  	[sflag:s8] =	ssyncset.s32 @!p0 $0xFFFFF086;
	s6 =	sadd.s32 @!p0 s3, s7;
	s7 =	simm.s32 @!p0 $0x108  }
0x21: {  	s3 =	sadd.s32 s3, s9;
	s6 =	sadd.s32 @!p0 $0x88, s6;
	s7 =	simm.s32 @p2 $0x1082  }
0x22: {  	[simem:s7], [sflag:s8] =	dma.local @!p0 [hbm:s6], $0xF7A  }
0x23: {  	s9 =	sor.u32 $0xD0000000, s2;
	s6 =	simm.s32 $0x108;
	_ =	swait.ge @!p0 [sflag:s8], $0x0  }
0x24: {  	s3 =	sadd.s32 $0x88, s3;
	s6 =	simm.s32 @!p1 $0x1082;
	[sflag:s4] =	ssyncset.s32 $0xFFFFF086  }
0x25: {  	[simem:s6], [sflag:s4] =	dma.local [hbm:s3], $0xF7A  }
0x26: {  	[smem:$0x3F97] =	sst s1;
	(tag) =	ssettag s2;
	_ =	strace s9  }
0x27: {  	s1 =	sld [smem:$0x3FA7]  }
0x28: {  	s2 =	sld [smem:$0x3FA8]  }
0x29: {  	s4 =	sld [smem:$0x3FAA]  }
0x2a: {  	p0 =	seq.s32 s5, $0x0;
	s5 =	sld [smem:$0x3FAB]  }
0x2b: {  	s6 =	sld [smem:$0x3FAC]  }
0x2c: {  	s7 =	sld [smem:$0x3FAD]  }
0x2d: {  	s3 =	simm.s32 $0x108;
	s8 =	sld [smem:$0x3FAE]  }
0x2e: {  	s3 =	simm.s32 @!p0 $0x1082;
	s9 =	sld [smem:$0x3FAF]  }
0x2f: {  	lr =	sadd.s32 s0, s3;
	s0 =	sld [smem:$0x3FA6]  }
0x30: {  	s3 =	sld [smem:$0x3FA9]  }
0x31: {  	[smem:$0x3FB2] =	sst s10  }
0x32: {  	s10 =	sld [smem:$0x3FB0];
	_ =	sdelay $0x3  }
0x33: {  	p0 =	seq.s32 s10, $0x1;
	s10 =	sld [smem:$0x3FB2];
	_ =	sdelay $0x3  }
0x34: {  	[smem:$0x3FB2] =	sst s10  }
0x35: {  	s10 =	sld [smem:$0x3FB1];
	_ =	sdelay $0x3  }
0x36: {  	p1 =	seq.s32 s10, $0x1;
	s10 =	sld [smem:$0x3FB2];
	_ =	sdelay $0x3  }
0x37: {  	[smem:$0x3FB2] =	sst s10  }
0x38: {  	s10 =	sld [smem:$0x3FB3]  }
0x39: {  	_ = 	snop;
	(pc) =	sbr.ind lr, $3  }
0x3a: {  	_ = 	snop  }
0x3b: {  	_ = 	snop  }
0x3c: {  	p2 =	seq.s32 s10, $0x1;
	s10 =	sld [smem:$0x3FB2]  }
0x3d: {  	_ =	shalt  }
0x3e: {  	_ =	shalt  }
0x3f: {  	_ =	shalt  }
0x40: {  	_ =	shalt  }
0x41: {  	_ =	shalt  }
0x42: {  	_ =	shalt  }
0x43: {  	_ =	shalt  }
0x44: {  	_ =	shalt  }
0x45: {  	_ =	shalt  }
0x46: {  	_ =	shalt  }
0x47: {  	_ =	shalt  }
0x48: {  	_ =	shalt  }
0x49: {  	_ =	shalt  }
0x4a: {  	_ =	shalt  }
0x4b: {  	_ =	shalt  }
0x4c: {  	_ =	shalt  }
0x4d: {  	_ =	shalt  }
0x4e: {  	_ =	shalt  }
0x4f: {  	_ =	shalt  }
0x50: {  	_ =	shalt  }
0x51: {  	_ =	shalt  }
0x52: {  	_ =	shalt  }
0x53: {  	_ =	shalt  }
0x54: {  	_ =	shalt  }
0x55: {  	_ =	shalt  }
0x56: {  	_ =	shalt  }
0x57: {  	_ =	shalt  }
0x58: {  	_ =	shalt  }
0x59: {  	_ =	shalt  }
0x5a: {  	_ =	shalt  }
0x5b: {  	_ =	shalt  }
0x5c: {  	_ =	shalt  }
0x5d: {  	_ =	shalt  }
0x5e: {  	_ =	shalt  }
0x5f: {  	_ =	shalt  }
0x60: {  	_ =	shalt  }
0x61: {  	_ =	shalt  }
0x62: {  	_ =	shalt  }
0x63: {  	_ =	shalt  }
0x64: {  	_ =	shalt  }
0x65: {  	_ =	shalt  }
0x66: {  	_ =	shalt  }
0x67: {  	_ =	shalt  }
0x68: {  	_ =	shalt  }
0x69: {  	_ =	shalt  }
0x6a: {  	_ =	shalt  }
0x6b: {  	_ =	shalt  }
0x6c: {  	_ =	shalt  }
0x6d: {  	_ =	shalt  }
0x6e: {  	_ =	shalt  }
0x6f: {  	_ =	shalt  }
0x70: {  	_ =	shalt  }
0x71: {  	_ =	shalt  }
0x72: {  	_ =	shalt  }
0x73: {  	_ =	shalt  }
0x74: {  	_ =	shalt  }
0x75: {  	_ =	shalt  }
0x76: {  	_ =	shalt  }
0x77: {  	_ =	shalt  }
0x78: {  	_ =	shalt  }
0x79: {  	_ =	shalt  }
0x7a: {  	_ =	shalt  }
0x7b: {  	_ =	shalt  }
0x7c: {  	_ =	shalt  }
0x7d: {  	_ =	shalt  }
0x7e: {  	_ =	shalt  }
0x7f: {  	_ =	shalt  }
0x80: {  	_ =	shalt  }
0x81: {  	_ =	shalt  }
0x82: {  	_ =	shalt  }
0x83: {  	_ =	shalt  }
0x84: {  	_ =	shalt  }
0x85: {  	_ =	shalt  }
0x86: {  	_ =	shalt  }
0x87: {  	_ =	shalt  }
.Lfunc_end0:
.L_simem_size_0:
called_computation.1_lowered:
.L_overlay_start_0:
0x88: {  	s2 =	sld [smem:$0x3FD9]  }
0x89: {  	s3 =	sld [smem:$0x3FFE];
	_ =	sdelay $0x1  }
0x8a: {  	s1 =	srdreg.scid  }
0x8b: {  	s0 =	sand.u32 $0x1, s1  }
0x8c: {  	s14 =	sshll.u32 s0, $0xA;
	s2 =	sadd.s32 s3, s2  }
0x8d: {  	s2 =	sadd.s32 s2, s14  }
0x8e: {  	[smem:$0x3FBE] =	sst s2  }
0x8f: {  	_ = 	snop  }
0x90: {  	s2 =	sld [smem:$0x3FD0];
	_ =	sdelay $0x2  }
0x91: {  	s15 =	simm.s32 $0xA;
	s4 =	simm.s32 $0x10  }
0x92: {  	[smem:s4], [sflag:s15] =	dma.local [hbm:s2], $0x1  }
0x93: {  	_ =	swait.eq [sflag:s15], $0x1  }
0x94: {  	[sflag:s15] =	ssyncset.done $0x0  }
0x95: {  	s16 =	sld [smem:$0x10];
	[sflag:s15] =	ssyncadd.s32 $0xFFFFFFFF  }
0x96: {  	s17 =	sld [smem:$0x11];
	(tm) =	ssettm $0x1  }
0x97: {  	s18 =	sld [smem:$0x3FFB];
	_ =	sdelay $0x3  }
0x98: {  	_ =	strace s18  }
0x99: {  	s4 =	sld [smem:$0x3FFC];
	_ =	sdelay $0x3  }
0x9a: {  	_ =	strace s4  }
0x9b: {  	s4 =	sld [smem:$0x3FFD];
	_ =	sdelay $0x3  }
0x9c: {  	_ =	strace s4  }
0x9d: {  	_ =	strace $0x8FFFFFFF  }
0x9e: {  	s19 =	sld [smem:$0x3FDB];
	_ =	sdelay $0x1  }
0x9f: {  	s5 =	simm.s32 $_scs_section_size  }
0xa0: {  	s6 =	simm.s32 $_size__tile_overlayer_lowered;
	s7 =	simm.s32 $_tile_overlayer_lowered  }
0xa1: {  	s22 =	simm.s32 $0x1BFF;
	s21 =	sshll.u32 s7, $0x1;
	s4 =	sadd.s32 s5, s19  }
0xa2: {  	s8 =	simm.s32 $0x0;
	s20 =	sshll.u32 s6, $0x1;
	s6 =	sadd.s32 s21, s4  }
0xa3: {  	[timem:s8], [sflag:s22] =	dma.local [hbm:s6], s20  }
0xa4: {  	_ =	swait.ge [sflag:s22], s20  }
0xa5: {  	s5 =	ssub.s32 $0x0, s20;
	[sflag:s22] =	ssyncset.done $0x0  }
0xa6: {  	[sflag:s22] =	ssyncadd.s32 s5;
	_ =	sdelay $0x1  }
0xa7: {  	s23 =	simm.s32 $0x1B8B  }
0xa8: {  	_ =	swait.ge [sflag:s23], $0x1  }
0xa9: {  	[sflag:s23] =	ssyncset.done $0x0  }
0xaa: {  	s25 =	simm.s32 $0x1B8E;
	s24 =	sld [smem:$0x3FFE];
	[sflag:s23] =	ssyncadd.s32 $0xFFFFFFFF  }
0xab: {  	s26 =	simm.s32 $execute0_lowered;
	[smem:$0x3FD2] =	sst s25  }
0xac: {  	s6 =	sshll.u32 s26, $0x1;
	_ =	strace $0x80000049;
	[dreg:$0x1] =	wrdreg $0xFFFFFFFF  }
0xad: {  	s28 =	simm.s32 $_size_execute0_lowered;
	s4 =	sadd.s32 s4, s6;
	[dreg:$0x0] =	wrdreg $0x0  }
0xae: {  	s6 =	sshll.u32 s28, $0x1;
	[dreg:$0x2] =	wrdreg s4  }
0xaf: {  	[dreg:$0x3] =	wrdreg s6  }
0xb0: {  	[dreg:$0x4] =	wrdreg $0xC0  }
0xb1: {  	_ =	task [dreg:s8], $0x5FFFF  }
0xb2: {  	[dreg:$0x1] =	wrdreg $0xFFFFFFFF  }
0xb3: {  	[dreg:$0x0] =	wrdreg $0x60  }
0xb4: {  	[dreg:$0x2] =	wrdreg s17  }
0xb5: {  	[dreg:$0x3] =	wrdreg s16  }
0xb6: {  	[dreg:$0x4] =	wrdreg s24  }
0xb7: {  	[dreg:$0x5] =	wrdreg $0x14A00  }
0xb8: {  	[dreg:$0x6] =	wrdreg $0x9  }
0xb9: {  	_ =	task.clear_ibuf [dreg:s8], $0x7FFFF;
	_ =	strace $0x90000049  }
0xba: {  	s29 =	simm.s32 $0x9;
	_ =	strace $0x8000004B  }
0xbb: {  	_ =	swait.ge [sflag:s29], $0x1  }
0xbc: {  	[sflag:s29] =	ssyncadd.s32 $0xFFFFFFFF  }
0xbd: {  	_ =	strace $0x9000004B  }
0xbe: {  	_ =	sfence  }
0xbf: {  	s30 =	sld [smem:$0x0];
	_ =	sdelay $0x2  }
0xc0: {  	s31 =	sshll.u32 s1, $0xD;
	s1 =	sshrl.u32 s1, $0x2  }
0xc1: {  	s3 =	sand.u32 $0x4000, s31;
	s1 =	sadd.s32 s1, s30  }
0xc2: {  	s0 =	sor.u32 s3, s0;
	s1 =	sshll.u32 s1, $0x11  }
0xc3: {  	s0 =	sor.u32 s1, s0  }
0xc4: {  	s0 =	sadd.s32 $0x8F2B, s0  }
0xc5: {  	[sflag:s0] =	ssyncadd.remote.s32 $0x1  }
0xc6: {  	_ =	sfence.sel $0xFFFF  }
0xc7: {  	[dreg:$0x0] =	wrdreg $0xFFFFFFFF;
	(pc) =	sbr.abs _section_cstart, $3  }
0xc8: {  	[dreg:$0x1] =	wrdreg $0xFFFFFFFF  }
0xc9: {  	_ =	task.clear_ibuf [dreg:s8], $0x2FFFF;
	_ =	strace $0x9FFFFFFF  }
0xca: {  	(tm) =	ssettm $0x7FFFFFFF  }
0xcb: {  	_ =	shalt  }
tec
execute0_lowered:
.L_overlay_start_1:
0x0: {  	(tag) =	ssettag $0x1  }
0x1: {  	s9 =	rddreg [dreg:$0x0]  }
0x2: {  	s8 =	rddreg [dreg:$0x1]  }
0x3: {  	s5 =	rddreg [dreg:$0x2]  }
0x4: {  	s1 =	rddreg [dreg:$0x3]  }
0x5: {  	s0 =	rddreg [dreg:$0x4];
	s2 =	simm.s32 $0x0  }
0x6: {  	s3 =	srdreg.scid;
	s13 =	stileid.u32;
	s18 =	simm.s32 $0x0  }
0x7: {  	[smem:$0x7FF] =	sst s2;
	s6 =	sand.u32 $0x1, s3;
	s3 =	sadd.s32 $0x1200, s5  }
0x8: {  	s11 =	smul.u32 $0x9C00, s13;
	s4 =	sadd.s32 $0x14C00, s5;
	s12 =	sadd.s32 $0x28600, s5  }
0x9: {  	s29 =	smul.u32 $0x2710, s13;
	s17 =	sadd.s32 $0x9C000, s1;
	p0 =	sne.s32 s13, $0x0  }
0xa: {  	s15 =	sshll.u32 s13, $0x6;
	s13 =	simm.s32 $0xA0;
	s7 =	smul.u32 $0x9C400, s6  }
0xb: {  	_ =	strace $0x8000004A;
	s10 =	ssub.s32 $0x2, s6;
	s14 =	smul.u32 $0x27100, s6  }
0xc: {  	s15 =	sor.u32 $0x1C02, s15;
	s17 =	sshrl.u32 @!p0 s17, $0x3;
	s25 =	sshrl.u32 s10, $0x1  }
0xd: {  	s16 =	sadd.s32 s11, s1;
	s10 =	ssub.s32 s10, s25;
	s26 =	sadd.s32 s11, s7  }
0xe: {  	s28 =	sshrl.u32 s7, $0x3;
	s30 =	sadd.s32 s29, s14;
	s11 =	simm.s32 $0x2  }
0xf: {  	s14 =	simm.s32 $0x1;
	s16 =	sshrl.u32 s16, $0x3;
	s5 =	sshrl.u32 s26, $0x3  }
0x10: {  	s6 =	sadd.s32 s12, s28;
	s7 =	smax.u32 s10, $0x1;
	s31 =	sshrl.u32 s30, $0x3  }
0x11: {  	s10 =	sshrl.u32 @!p0 s1, $0x3;
	s5 =	sadd.s32 s12, s5;
	s6 =	sadd.s32 $0x13800, s6  }
0x12: {  	s8 =	sadd.s32 s31, s8;
	s9 =	sadd.s32 s31, s9;
	s12 =	simm.s32 $0x50  }
.LBB2_1:
0x13: {  	s19 =	simm.s32 @!p0 $0x1C02  }
0x14: {  	[spmem:s10], [sflag:s19] =	dma.local @!p0 [hbm:s4], $0x13880  }
0x15: {  	s19 =	simm.s32 @!p0 $0x2  }
0x16: {  	_ =	swait.ge @!p0 [sflag:s19], $0x13880  }
0x17: {  	[sflag:s19] =	ssyncset.done @!p0 $0x0  }
0x18: {  	[sflag:s19] =	ssyncadd.s32 @!p0 $0xFFFEC780  }
0x19: {  	s30 =	sadd.s32 $0x0, s9;
	[bflag:$0x0] =	sbarrier.arrive $0xFFFF  }
0x1a: {  	[tilespmem:s2], [sflag:$0x2] =	stream.linear.gather [hbm4b:s30+s2], $0x50, $0x38;
	[tilespmem:$0xB0E0] =	vst v63  }
0x1b: {  	_ =	swait.ge [sflag:s11], $0x50  }
0x1c: {  	[sflag:s11] =	ssyncset.done $0x0  }
0x1d: {  	s31 =	sadd.s32 $0x0, s8;
	[sflag:s11] =	ssyncadd.s32 $0xFFFFFFB0  }
0x1e: {  	[tilespmem:s12], [sflag:$0x2] =	stream.linear.gather [hbm4b:s31+s2], $0x50, $0x38;
	[tilespmem:$0xB0E0] =	vst v63  }
0x1f: {  	_ =	swait.ge [sflag:s11], $0x50  }
0x20: {  	[sflag:s11] =	ssyncset.done $0x0  }
0x21: {  	[sflag:s11] =	ssyncadd.s32 $0xFFFFFFB0  }
0x22: {  	[tilespmem:s13], [sflag:$0x1] =	stream.indirect.gather [hbm4b:s3+s12], $0x40, s2, s12, $0xb8;
	[tilespmem:$0xB0E0] =	vst v63  }
0x23: {  	_ =	swait.ge [sflag:s14], $0x1400  }
0x24: {  	[sflag:s14] =	ssyncset.done $0x0  }
0x25: {  	[sflag:s14] =	ssyncadd.s32 $0xFFFFEC00  }
0x26: {  	[spmem:s1] =	stream.indirect.scatter.add.f32 [tilespmem:s13], [sflag:$0x2], $0x40, s12, s12, $0xb8;
	[tilespmem:$0xB0E0] =	vst v63  }
0x27: {  	_ =	swait.ge [sflag:s11], $0x1400  }
0x28: {  	s20 =	simm.s32 $0x14;
	s19 =	simm.s32 $0xA;
	[sflag:s11] =	ssyncset.done $0x0  }
.LBB2_2:
0x29: {  	s21 =	sadd.s32 s19, s9  }
0x2a: {  	[sflag:s11] =	ssyncadd.s32 $0xFFFFEC00;
	s22 =	smov.u32 s20;
	s23 =	sadd.s32 $0xA, s20  }
0x2b: {  	[tilespmem:s2], [sflag:$0x2] =	stream.linear.gather [hbm4b:s21+s2], $0x50, $0x38;
	[tilespmem:$0xB0E0] =	vst v63  }
0x2c: {  	p1 =	sne.s32 s20, $0x4D8;
	_ =	swait.ge [sflag:s11], $0x50  }
0x2d: {  	[sflag:s11] =	ssyncset.done $0x0  }
0x2e: {  	s20 =	sadd.s32 s19, s8;
	s19 =	smov.u32 s22;
	[sflag:s11] =	ssyncadd.s32 $0xFFFFFFB0  }
0x2f: {  	[tilespmem:s12], [sflag:$0x2] =	stream.linear.gather [hbm4b:s20+s2], $0x50, $0x38;
	[tilespmem:$0xB0E0] =	vst v63  }
0x30: {  	_ =	swait.ge [sflag:s11], $0x50  }
0x31: {  	[sflag:s11] =	ssyncset.done $0x0  }
0x32: {  	[sflag:s11] =	ssyncadd.s32 $0xFFFFFFB0  }
0x33: {  	[tilespmem:s13], [sflag:$0x1] =	stream.indirect.gather [hbm4b:s3+s12], $0x40, s2, s12, $0xb8;
	[tilespmem:$0xB0E0] =	vst v63  }
0x34: {  	_ =	swait.ge [sflag:s14], $0x1400  }
.Ltmp0:
0x35: {  	[sflag:s14] =	ssyncset.done $0x0;
	(pc) =	sbr.rel @p1 .LBB2_2-.Ltmp0, $4  }
0x36: {  	[sflag:s14] =	ssyncadd.s32 $0xFFFFEC00  }
0x37: {  	[spmem:s1] =	stream.indirect.scatter.add.f32 [tilespmem:s13], [sflag:$0x2], $0x40, s12, s12, $0xb8;
	[tilespmem:$0xB0E0] =	vst v63  }
0x38: {  	_ =	swait.ge [sflag:s11], $0x1400  }
0x39: {  	s20 =	smov.u32 s23;
	[sflag:s11] =	ssyncset.done $0x0  }
0x3a: {  	s20 =	sadd.s32 s19, s9;
	[sflag:s11] =	ssyncadd.s32 $0xFFFFEC00  }
0x3b: {  	[tilespmem:s2], [sflag:$0x2] =	stream.linear.gather [hbm4b:s20+s2], $0x50, $0x38;
	[tilespmem:$0xB0E0] =	vst v63  }
0x3c: {  	_ =	swait.ge [sflag:s11], $0x50  }
0x3d: {  	[sflag:s11] =	ssyncset.done $0x0  }
0x3e: {  	s31 =	sadd.s32 s19, s8;
	[sflag:s11] =	ssyncadd.s32 $0xFFFFFFB0  }
0x3f: {  	[tilespmem:s12], [sflag:$0x2] =	stream.linear.gather [hbm4b:s31+s2], $0x50, $0x38;
	[tilespmem:$0xB0E0] =	vst v63  }
0x40: {  	_ =	swait.ge [sflag:s11], $0x50  }
0x41: {  	[sflag:s11] =	ssyncset.done $0x0  }
0x42: {  	[sflag:s11] =	ssyncadd.s32 $0xFFFFFFB0  }
0x43: {  	[tilespmem:s13], [sflag:$0x1] =	stream.indirect.gather [hbm4b:s3+s12], $0x40, s2, s12, $0xb8;
	[tilespmem:$0xB0E0] =	vst v63  }
0x44: {  	_ =	swait.ge [sflag:s14], $0x1400  }
0x45: {  	[sflag:s14] =	ssyncset.done $0x0  }
0x46: {  	[sflag:s14] =	ssyncadd.s32 $0xFFFFEC00  }
0x47: {  	[spmem:s1] =	stream.indirect.scatter.add.f32 [tilespmem:s13], [sflag:$0x2], $0x40, s12, s12, $0xb8;
	[tilespmem:$0xB0E0] =	vst v63  }
0x48: {  	_ =	swait.ge [sflag:s11], $0x1400  }
0x49: {  	[sflag:s11] =	ssyncset.done $0x0  }
0x4a: {  	[sflag:s11] =	ssyncadd.s32 $0xFFFFEC00  }
0x4b: {  	[bflag:$0x0] =	sbarrier.arrive $0xFFFF  }
0x4c: {  	[hbm:s5], [sflag:s15] =	dma.local [spmem:s16], $0x1380  }
0x4d: {  	s18 =	sadd.s32 $0x1, s18;
	_ =	swait.ge [sflag:s11], $0x1380  }
0x4e: {  	p1 =	sne.s32 s18, s7;
	[sflag:s11] =	ssyncset.done $0x0  }
.Ltmp1:
0x4f: {  	s19 =	simm.s32 @!p0 $0x2;
	[sflag:s11] =	ssyncadd.s32 $0xFFFFEC80;
	(pc) =	sbr.rel @p1 .LBB2_1-.Ltmp1, $4  }
0x50: {  	[hbm:s6], [sflag:s15] =	dma.local @!p0 [spmem:s17], $0x80  }
0x51: {  	_ =	swait.ge @!p0 [sflag:s19], $0x80  }
0x52: {  	[sflag:s19] =	ssyncset.done @!p0 $0x0  }
0x53: {  	[sflag:s19] =	ssyncadd.s32 @!p0 $0xFFFFFF80  }
0x54: {  	_ =	sfence.sel $0x180000  }
0x55: {  	[bflag:$0x0] =	sbarrier.arrive $0xFFFF  }
0x56: {  	_ =	strace $0x9000004A  }
0x57: {  	s0 =	sadd.s32 @!p0 $0x100000, s0;
	[bflag:$0x2] =	sbarrier.arrive $0xFFFF  }
0x58: {  	[sflag:s0] =	ssyncadd.tile.s32 @!p0 $0x1;
	_ =	shalt  }
.Lfunc_end2:
_tile_overlayer_lowered:
.L_overlay_start_2:
0x59: {  	(tag) =	ssettag $0x2  }
0x5a: {  	s0 =	rddreg [dreg:$0x0];
	s2 =	stileid.u32  }
0x5b: {  	s1 =	rddreg [dreg:$0x1];
	p0 =	sne.s32 s2, $0x0  }
0x5c: {  	s3 =	rddreg [dreg:$0x2];
	[bflag:$0x3] =	sbarrier.arrive $0xFFFF;
	s2 =	simm.s32 @!p0 $0x1C02  }
0x5d: {  	[timem:s3], [sflag:s2] =	dma.local @!p0 [hbm:s0], s1  }
0x5e: {  	s0 =	simm.s32 @!p0 $0x2  }
0x5f: {  	_ =	swait.ge @!p0 [sflag:s0], s1  }
0x60: {  	s1 =	ssub.s32 @!p0 $0x0, s1;
	[sflag:s0] =	ssyncset.done @!p0 $0x0  }
0x61: {  	[sflag:s0] =	ssyncadd.s32 @!p0 s1  }
0x62: {  	[bflag:$0x3] =	sbarrier.arrive $0xFFFF  }
0x63: {  	_ =	shalt  }

// kernel: kernel.15.cloned.1.call-start
scs
__scs_entry_jumppad:
0x0: {  	(pc) =	sbr.rel $0x88, $3  }
0x1: {  	(tag) =	ssettag $0x0;
	lr =	simm.s32 $0x1  }
0x2: {  	[smem:$0x3F97] =	sst lr;
	_ =	strace $0xD0000000  }
0x3: {  	_ = 	snop  }
0x4: {  	_ = 	snop  }
0x5: {  	_ = 	snop  }
0x6: {  	_ = 	snop  }
0x7: {  	_ = 	snop  }
__scs_overlays_trampoline_lowered:
0x8: {  	[smem:$0x3FA6] =	sst s0  }
0x9: {  	[smem:$0x3FA7] =	sst s1  }
0xa: {  	[smem:$0x3FA8] =	sst s2  }
0xb: {  	[smem:$0x3FA9] =	sst s3  }
0xc: {  	[smem:$0x3FAA] =	sst s4  }
0xd: {  	[smem:$0x3FAB] =	sst s5  }
0xe: {  	[smem:$0x3FAC] =	sst s6  }
0xf: {  	[smem:$0x3FAD] =	sst s7  }
0x10: {  	[smem:$0x3FAE] =	sst s8  }
0x11: {  	[smem:$0x3FAF] =	sst s9;
	s0 =	simm.s32 @!p0 $0x0  }
0x12: {  	s1 =	sld [smem:$0x3F95];
	s0 =	simm.s32 @p0 $0x1  }
0x13: {  	[smem:$0x3FB0] =	sst s0;
	s0 =	simm.s32 @!p1 $0x0  }
0x14: {  	s2 =	sld [smem:$0x3F94];
	s0 =	simm.s32 @p1 $0x1  }
0x15: {  	[smem:$0x3FB1] =	sst s0;
	s0 =	simm.s32 @!p2 $0x0  }
0x16: {  	s3 =	sld [smem:$0x3FDB];
	s0 =	simm.s32 @p2 $0x1  }
0x17: {  	s4 =	simm.s32 $0x1BF5;
	[smem:$0x3FB3] =	sst s0  }
0x18: {  	s0 =	sld [smem:$0x3F96];
	_ =	swait.ge [sflag:s4], $0x0  }
0x19: {  	s7 =	sld [smem:$0x3F97]  }
0x1a: {  	s8 =	sadd.s32 $0xFFFFE003, lr  }
0x1b: {  	s9 =	sadd.s32 $0xFFFFFEF7, lr;
	s5 =	simm.s32 $0xFFFFFFFF;
	p2 =	slt.u32 s8, $0xFFFFF086  }
0x1c: {  	p1 =	slt.u32 s9, $0xF7A;
	s5 =	simm.s32 @!p2 $0x0  }
0x1d: {  	s5 =	simm.s32 @p1 $0x1;
	p0 =	seq.s32 s7, s2  }
0x1e: {  	s7 =	smul.u32 @!p0 $0xF7A, s2;
	p2 =	seq.s32 @!p0 s5, $0x0  }
0x1f: {  	s9 =	smul.u32 $0xF7A, s1;
	s8 =	simm.s32 @!p0 $0x1BF5;
	p2 =	por !p2, p0  }
0x20: {  	[sflag:s8] =	ssyncset.s32 @!p0 $0xFFFFF086;
	s6 =	sadd.s32 @!p0 s3, s7;
	s7 =	simm.s32 @!p0 $0x108  }
0x21: {  	s3 =	sadd.s32 s3, s9;
	s6 =	sadd.s32 @!p0 $0x88, s6;
	s7 =	simm.s32 @p2 $0x1082  }
0x22: {  	[simem:s7], [sflag:s8] =	dma.local @!p0 [hbm:s6], $0xF7A  }
0x23: {  	s9 =	sor.u32 $0xD0000000, s2;
	s6 =	simm.s32 $0x108;
	_ =	swait.ge @!p0 [sflag:s8], $0x0  }
0x24: {  	s3 =	sadd.s32 $0x88, s3;
	s6 =	simm.s32 @!p1 $0x1082;
	[sflag:s4] =	ssyncset.s32 $0xFFFFF086  }
0x25: {  	[simem:s6], [sflag:s4] =	dma.local [hbm:s3], $0xF7A  }
0x26: {  	[smem:$0x3F97] =	sst s1;
	(tag) =	ssettag s2;
	_ =	strace s9  }
0x27: {  	s1 =	sld [smem:$0x3FA7]  }
0x28: {  	s2 =	sld [smem:$0x3FA8]  }
0x29: {  	s4 =	sld [smem:$0x3FAA]  }
0x2a: {  	p0 =	seq.s32 s5, $0x0;
	s5 =	sld [smem:$0x3FAB]  }
0x2b: {  	s6 =	sld [smem:$0x3FAC]  }
0x2c: {  	s7 =	sld [smem:$0x3FAD]  }
0x2d: {  	s3 =	simm.s32 $0x108;
	s8 =	sld [smem:$0x3FAE]  }
0x2e: {  	s3 =	simm.s32 @!p0 $0x1082;
	s9 =	sld [smem:$0x3FAF]  }
0x2f: {  	lr =	sadd.s32 s0, s3;
	s0 =	sld [smem:$0x3FA6]  }
0x30: {  	s3 =	sld [smem:$0x3FA9]  }
0x31: {  	[smem:$0x3FB2] =	sst s10  }
0x32: {  	s10 =	sld [smem:$0x3FB0];
	_ =	sdelay $0x3  }
0x33: {  	p0 =	seq.s32 s10, $0x1;
	s10 =	sld [smem:$0x3FB2];
	_ =	sdelay $0x3  }
0x34: {  	[smem:$0x3FB2] =	sst s10  }
0x35: {  	s10 =	sld [smem:$0x3FB1];
	_ =	sdelay $0x3  }
0x36: {  	p1 =	seq.s32 s10, $0x1;
	s10 =	sld [smem:$0x3FB2];
	_ =	sdelay $0x3  }
0x37: {  	[smem:$0x3FB2] =	sst s10  }
0x38: {  	s10 =	sld [smem:$0x3FB3]  }
0x39: {  	_ = 	snop;
	(pc) =	sbr.ind lr, $3  }
0x3a: {  	_ = 	snop  }
0x3b: {  	_ = 	snop  }
0x3c: {  	p2 =	seq.s32 s10, $0x1;
	s10 =	sld [smem:$0x3FB2]  }
0x3d: {  	_ =	shalt  }
0x3e: {  	_ =	shalt  }
0x3f: {  	_ =	shalt  }
0x40: {  	_ =	shalt  }
0x41: {  	_ =	shalt  }
0x42: {  	_ =	shalt  }
0x43: {  	_ =	shalt  }
0x44: {  	_ =	shalt  }
0x45: {  	_ =	shalt  }
0x46: {  	_ =	shalt  }
0x47: {  	_ =	shalt  }
0x48: {  	_ =	shalt  }
0x49: {  	_ =	shalt  }
0x4a: {  	_ =	shalt  }
0x4b: {  	_ =	shalt  }
0x4c: {  	_ =	shalt  }
0x4d: {  	_ =	shalt  }
0x4e: {  	_ =	shalt  }
0x4f: {  	_ =	shalt  }
0x50: {  	_ =	shalt  }
0x51: {  	_ =	shalt  }
0x52: {  	_ =	shalt  }
0x53: {  	_ =	shalt  }
0x54: {  	_ =	shalt  }
0x55: {  	_ =	shalt  }
0x56: {  	_ =	shalt  }
0x57: {  	_ =	shalt  }
0x58: {  	_ =	shalt  }
0x59: {  	_ =	shalt  }
0x5a: {  	_ =	shalt  }
0x5b: {  	_ =	shalt  }
0x5c: {  	_ =	shalt  }
0x5d: {  	_ =	shalt  }
0x5e: {  	_ =	shalt  }
0x5f: {  	_ =	shalt  }
0x60: {  	_ =	shalt  }
0x61: {  	_ =	shalt  }
0x62: {  	_ =	shalt  }
0x63: {  	_ =	shalt  }
0x64: {  	_ =	shalt  }
0x65: {  	_ =	shalt  }
0x66: {  	_ =	shalt  }
0x67: {  	_ =	shalt  }
0x68: {  	_ =	shalt  }
0x69: {  	_ =	shalt  }
0x6a: {  	_ =	shalt  }
0x6b: {  	_ =	shalt  }
0x6c: {  	_ =	shalt  }
0x6d: {  	_ =	shalt  }
0x6e: {  	_ =	shalt  }
0x6f: {  	_ =	shalt  }
0x70: {  	_ =	shalt  }
0x71: {  	_ =	shalt  }
0x72: {  	_ =	shalt  }
0x73: {  	_ =	shalt  }
0x74: {  	_ =	shalt  }
0x75: {  	_ =	shalt  }
0x76: {  	_ =	shalt  }
0x77: {  	_ =	shalt  }
0x78: {  	_ =	shalt  }
0x79: {  	_ =	shalt  }
0x7a: {  	_ =	shalt  }
0x7b: {  	_ =	shalt  }
0x7c: {  	_ =	shalt  }
0x7d: {  	_ =	shalt  }
0x7e: {  	_ =	shalt  }
0x7f: {  	_ =	shalt  }
0x80: {  	_ =	shalt  }
0x81: {  	_ =	shalt  }
0x82: {  	_ =	shalt  }
0x83: {  	_ =	shalt  }
0x84: {  	_ =	shalt  }
0x85: {  	_ =	shalt  }
0x86: {  	_ =	shalt  }
0x87: {  	_ =	shalt  }
.Lfunc_end0:
.L_simem_size_0:
called_computation.2_lowered:
.L_overlay_start_0:
0x88: {  	s2 =	sld [smem:$0x3FD9]  }
0x89: {  	s3 =	sld [smem:$0x3FFE];
	_ =	sdelay $0x1  }
0x8a: {  	s1 =	srdreg.scid  }
0x8b: {  	s0 =	sand.u32 $0x1, s1  }
0x8c: {  	s14 =	sshll.u32 s0, $0xA;
	s2 =	sadd.s32 s3, s2  }
0x8d: {  	s2 =	sadd.s32 s2, s14  }
0x8e: {  	[smem:$0x3FBE] =	sst s2  }
0x8f: {  	_ = 	snop  }
0x90: {  	s2 =	sld [smem:$0x3FD0];
	_ =	sdelay $0x2  }
0x91: {  	s15 =	simm.s32 $0xA;
	s4 =	simm.s32 $0x10  }
0x92: {  	[smem:s4], [sflag:s15] =	dma.local [hbm:s2], $0x1  }
0x93: {  	_ =	swait.eq [sflag:s15], $0x1  }
0x94: {  	[sflag:s15] =	ssyncset.done $0x0  }
0x95: {  	s16 =	sld [smem:$0x10];
	[sflag:s15] =	ssyncadd.s32 $0xFFFFFFFF  }
0x96: {  	s17 =	sld [smem:$0x11];
	(tm) =	ssettm $0x1  }
0x97: {  	s18 =	sld [smem:$0x3FFB];
	_ =	sdelay $0x3  }
0x98: {  	_ =	strace s18  }
0x99: {  	s4 =	sld [smem:$0x3FFC];
	_ =	sdelay $0x3  }
0x9a: {  	_ =	strace s4  }
0x9b: {  	s4 =	sld [smem:$0x3FFD];
	_ =	sdelay $0x3  }
0x9c: {  	_ =	strace s4  }
0x9d: {  	_ =	strace $0x8FFFFFFF  }
0x9e: {  	s19 =	sld [smem:$0x3FDB];
	_ =	sdelay $0x1  }
0x9f: {  	s5 =	simm.s32 $_scs_section_size  }
0xa0: {  	s6 =	simm.s32 $_size__tile_overlayer_lowered;
	s7 =	simm.s32 $_tile_overlayer_lowered  }
0xa1: {  	s22 =	simm.s32 $0x1BFF;
	s21 =	sshll.u32 s7, $0x1;
	s4 =	sadd.s32 s5, s19  }
0xa2: {  	s8 =	simm.s32 $0x0;
	s20 =	sshll.u32 s6, $0x1;
	s6 =	sadd.s32 s21, s4  }
0xa3: {  	[timem:s8], [sflag:s22] =	dma.local [hbm:s6], s20  }
0xa4: {  	_ =	swait.ge [sflag:s22], s20  }
0xa5: {  	s5 =	ssub.s32 $0x0, s20;
	[sflag:s22] =	ssyncset.done $0x0  }
0xa6: {  	[sflag:s22] =	ssyncadd.s32 s5;
	_ =	sdelay $0x1  }
0xa7: {  	s23 =	simm.s32 $0x1B8B  }
0xa8: {  	_ =	swait.ge [sflag:s23], $0x1  }
0xa9: {  	[sflag:s23] =	ssyncset.done $0x0  }
0xaa: {  	s25 =	simm.s32 $0x1B8E;
	s24 =	sld [smem:$0x3FFE];
	[sflag:s23] =	ssyncadd.s32 $0xFFFFFFFF  }
0xab: {  	s26 =	simm.s32 $execute0_lowered;
	[smem:$0x3FD2] =	sst s25  }
0xac: {  	s6 =	sshll.u32 s26, $0x1;
	_ =	strace $0x8000004C;
	[dreg:$0x1] =	wrdreg $0xFFFFFFFF  }
0xad: {  	s28 =	simm.s32 $_size_execute0_lowered;
	s4 =	sadd.s32 s4, s6;
	[dreg:$0x0] =	wrdreg $0x0  }
0xae: {  	s6 =	sshll.u32 s28, $0x1;
	[dreg:$0x2] =	wrdreg s4  }
0xaf: {  	[dreg:$0x3] =	wrdreg s6  }
0xb0: {  	[dreg:$0x4] =	wrdreg $0xC0  }
0xb1: {  	_ =	task [dreg:s8], $0x5FFFF  }
0xb2: {  	[dreg:$0x1] =	wrdreg $0xFFFFFFFF  }
0xb3: {  	[dreg:$0x0] =	wrdreg $0x60  }
0xb4: {  	[dreg:$0x2] =	wrdreg s17  }
0xb5: {  	[dreg:$0x3] =	wrdreg s16  }
0xb6: {  	[dreg:$0x4] =	wrdreg s24  }
0xb7: {  	[dreg:$0x5] =	wrdreg $0x14A00  }
0xb8: {  	[dreg:$0x6] =	wrdreg $0x9  }
0xb9: {  	_ =	task.clear_ibuf [dreg:s8], $0x7FFFF;
	_ =	strace $0x9000004C  }
0xba: {  	s29 =	simm.s32 $0x9;
	_ =	strace $0x8000004E  }
0xbb: {  	_ =	swait.ge [sflag:s29], $0x1  }
0xbc: {  	[sflag:s29] =	ssyncadd.s32 $0xFFFFFFFF  }
0xbd: {  	_ =	strace $0x9000004E  }
0xbe: {  	_ =	sfence  }
0xbf: {  	s30 =	sld [smem:$0x0];
	_ =	sdelay $0x2  }
0xc0: {  	s31 =	sshll.u32 s1, $0xD;
	s1 =	sshrl.u32 s1, $0x2  }
0xc1: {  	s3 =	sand.u32 $0x4000, s31;
	s1 =	sadd.s32 s1, s30  }
0xc2: {  	s0 =	sor.u32 s3, s0;
	s1 =	sshll.u32 s1, $0x11  }
0xc3: {  	s0 =	sor.u32 s1, s0  }
0xc4: {  	s0 =	sadd.s32 $0x8F2B, s0  }
0xc5: {  	[sflag:s0] =	ssyncadd.remote.s32 $0x1  }
0xc6: {  	_ =	sfence.sel $0xFFFF  }
0xc7: {  	[dreg:$0x0] =	wrdreg $0xFFFFFFFF;
	(pc) =	sbr.abs _section_cstart, $3  }
0xc8: {  	[dreg:$0x1] =	wrdreg $0xFFFFFFFF  }
0xc9: {  	_ =	task.clear_ibuf [dreg:s8], $0x2FFFF;
	_ =	strace $0x9FFFFFFF  }
0xca: {  	(tm) =	ssettm $0x7FFFFFFF  }
0xcb: {  	_ =	shalt  }
tec
execute0_lowered:
.L_overlay_start_1:
0x0: {  	(tag) =	ssettag $0x1  }
0x1: {  	s9 =	rddreg [dreg:$0x0]  }
0x2: {  	s8 =	rddreg [dreg:$0x1]  }
0x3: {  	s5 =	rddreg [dreg:$0x2]  }
0x4: {  	s1 =	rddreg [dreg:$0x3]  }
0x5: {  	s0 =	rddreg [dreg:$0x4];
	s2 =	simm.s32 $0x0  }
0x6: {  	s3 =	srdreg.scid;
	s13 =	stileid.u32;
	s18 =	simm.s32 $0x0  }
0x7: {  	[smem:$0x7FF] =	sst s2;
	s6 =	sand.u32 $0x1, s3;
	s3 =	sadd.s32 $0x1200, s5  }
0x8: {  	s11 =	smul.u32 $0x9C00, s13;
	s4 =	sadd.s32 $0x14C00, s5;
	s12 =	sadd.s32 $0x28600, s5  }
0x9: {  	s29 =	smul.u32 $0x2710, s13;
	s17 =	sadd.s32 $0x9C000, s1;
	p0 =	sne.s32 s13, $0x0  }
0xa: {  	s15 =	sshll.u32 s13, $0x6;
	s13 =	simm.s32 $0xA0;
	s7 =	smul.u32 $0x9C400, s6  }
0xb: {  	_ =	strace $0x8000004D;
	s10 =	ssub.s32 $0x2, s6;
	s14 =	smul.u32 $0x27100, s6  }
0xc: {  	s15 =	sor.u32 $0x1C02, s15;
	s17 =	sshrl.u32 @!p0 s17, $0x3;
	s25 =	sshrl.u32 s10, $0x1  }
0xd: {  	s16 =	sadd.s32 s11, s1;
	s10 =	ssub.s32 s10, s25;
	s26 =	sadd.s32 s11, s7  }
0xe: {  	s28 =	sshrl.u32 s7, $0x3;
	s30 =	sadd.s32 s29, s14;
	s11 =	simm.s32 $0x2  }
0xf: {  	s14 =	simm.s32 $0x1;
	s16 =	sshrl.u32 s16, $0x3;
	s5 =	sshrl.u32 s26, $0x3  }
0x10: {  	s6 =	sadd.s32 s12, s28;
	s7 =	smax.u32 s10, $0x1;
	s31 =	sshrl.u32 s30, $0x3  }
0x11: {  	s10 =	sshrl.u32 @!p0 s1, $0x3;
	s5 =	sadd.s32 s12, s5;
	s6 =	sadd.s32 $0x13800, s6  }
0x12: {  	s8 =	sadd.s32 s31, s8;
	s9 =	sadd.s32 s31, s9;
	s12 =	simm.s32 $0x50  }
.LBB2_1:
0x13: {  	s19 =	simm.s32 @!p0 $0x1C02  }
0x14: {  	[spmem:s10], [sflag:s19] =	dma.local @!p0 [hbm:s4], $0x13880  }
0x15: {  	s19 =	simm.s32 @!p0 $0x2  }
0x16: {  	_ =	swait.ge @!p0 [sflag:s19], $0x13880  }
0x17: {  	[sflag:s19] =	ssyncset.done @!p0 $0x0  }
0x18: {  	[sflag:s19] =	ssyncadd.s32 @!p0 $0xFFFEC780  }
0x19: {  	s30 =	sadd.s32 $0x0, s9;
	[bflag:$0x0] =	sbarrier.arrive $0xFFFF  }
0x1a: {  	[tilespmem:s2], [sflag:$0x2] =	stream.linear.gather [hbm4b:s30+s2], $0x50, $0x38;
	[tilespmem:$0xB0E0] =	vst v63  }
0x1b: {  	_ =	swait.ge [sflag:s11], $0x50  }
0x1c: {  	[sflag:s11] =	ssyncset.done $0x0  }
0x1d: {  	s31 =	sadd.s32 $0x0, s8;
	[sflag:s11] =	ssyncadd.s32 $0xFFFFFFB0  }
0x1e: {  	[tilespmem:s12], [sflag:$0x2] =	stream.linear.gather [hbm4b:s31+s2], $0x50, $0x38;
	[tilespmem:$0xB0E0] =	vst v63  }
0x1f: {  	_ =	swait.ge [sflag:s11], $0x50  }
0x20: {  	[sflag:s11] =	ssyncset.done $0x0  }
0x21: {  	[sflag:s11] =	ssyncadd.s32 $0xFFFFFFB0  }
0x22: {  	[tilespmem:s13], [sflag:$0x1] =	stream.indirect.gather [hbm4b:s3+s12], $0x40, s2, s12, $0xb8;
	[tilespmem:$0xB0E0] =	vst v63  }
0x23: {  	_ =	swait.ge [sflag:s14], $0x1400  }
0x24: {  	[sflag:s14] =	ssyncset.done $0x0  }
0x25: {  	[sflag:s14] =	ssyncadd.s32 $0xFFFFEC00  }
0x26: {  	[spmem:s1] =	stream.indirect.scatter.add.f32 [tilespmem:s13], [sflag:$0x2], $0x40, s12, s12, $0xb8;
	[tilespmem:$0xB0E0] =	vst v63  }
0x27: {  	_ =	swait.ge [sflag:s11], $0x1400  }
0x28: {  	s20 =	simm.s32 $0x14;
	s19 =	simm.s32 $0xA;
	[sflag:s11] =	ssyncset.done $0x0  }
.LBB2_2:
0x29: {  	s21 =	sadd.s32 s19, s9  }
0x2a: {  	[sflag:s11] =	ssyncadd.s32 $0xFFFFEC00;
	s22 =	smov.u32 s20;
	s23 =	sadd.s32 $0xA, s20  }
0x2b: {  	[tilespmem:s2], [sflag:$0x2] =	stream.linear.gather [hbm4b:s21+s2], $0x50, $0x38;
	[tilespmem:$0xB0E0] =	vst v63  }
0x2c: {  	p1 =	sne.s32 s20, $0x4D8;
	_ =	swait.ge [sflag:s11], $0x50  }
0x2d: {  	[sflag:s11] =	ssyncset.done $0x0  }
0x2e: {  	s20 =	sadd.s32 s19, s8;
	s19 =	smov.u32 s22;
	[sflag:s11] =	ssyncadd.s32 $0xFFFFFFB0  }
0x2f: {  	[tilespmem:s12], [sflag:$0x2] =	stream.linear.gather [hbm4b:s20+s2], $0x50, $0x38;
	[tilespmem:$0xB0E0] =	vst v63  }
0x30: {  	_ =	swait.ge [sflag:s11], $0x50  }
0x31: {  	[sflag:s11] =	ssyncset.done $0x0  }
0x32: {  	[sflag:s11] =	ssyncadd.s32 $0xFFFFFFB0  }
0x33: {  	[tilespmem:s13], [sflag:$0x1] =	stream.indirect.gather [hbm4b:s3+s12], $0x40, s2, s12, $0xb8;
	[tilespmem:$0xB0E0] =	vst v63  }
0x34: {  	_ =	swait.ge [sflag:s14], $0x1400  }
.Ltmp0:
0x35: {  	[sflag:s14] =	ssyncset.done $0x0;
	(pc) =	sbr.rel @p1 .LBB2_2-.Ltmp0, $4  }
0x36: {  	[sflag:s14] =	ssyncadd.s32 $0xFFFFEC00  }
0x37: {  	[spmem:s1] =	stream.indirect.scatter.add.f32 [tilespmem:s13], [sflag:$0x2], $0x40, s12, s12, $0xb8;
	[tilespmem:$0xB0E0] =	vst v63  }
0x38: {  	_ =	swait.ge [sflag:s11], $0x1400  }
0x39: {  	s20 =	smov.u32 s23;
	[sflag:s11] =	ssyncset.done $0x0  }
0x3a: {  	s20 =	sadd.s32 s19, s9;
	[sflag:s11] =	ssyncadd.s32 $0xFFFFEC00  }
0x3b: {  	[tilespmem:s2], [sflag:$0x2] =	stream.linear.gather [hbm4b:s20+s2], $0x50, $0x38;
	[tilespmem:$0xB0E0] =	vst v63  }
0x3c: {  	_ =	swait.ge [sflag:s11], $0x50  }
0x3d: {  	[sflag:s11] =	ssyncset.done $0x0  }
0x3e: {  	s31 =	sadd.s32 s19, s8;
	[sflag:s11] =	ssyncadd.s32 $0xFFFFFFB0  }
0x3f: {  	[tilespmem:s12], [sflag:$0x2] =	stream.linear.gather [hbm4b:s31+s2], $0x50, $0x38;
	[tilespmem:$0xB0E0] =	vst v63  }
0x40: {  	_ =	swait.ge [sflag:s11], $0x50  }
0x41: {  	[sflag:s11] =	ssyncset.done $0x0  }
0x42: {  	[sflag:s11] =	ssyncadd.s32 $0xFFFFFFB0  }
0x43: {  	[tilespmem:s13], [sflag:$0x1] =	stream.indirect.gather [hbm4b:s3+s12], $0x40, s2, s12, $0xb8;
	[tilespmem:$0xB0E0] =	vst v63  }
0x44: {  	_ =	swait.ge [sflag:s14], $0x1400  }
0x45: {  	[sflag:s14] =	ssyncset.done $0x0  }
0x46: {  	[sflag:s14] =	ssyncadd.s32 $0xFFFFEC00  }
0x47: {  	[spmem:s1] =	stream.indirect.scatter.add.f32 [tilespmem:s13], [sflag:$0x2], $0x40, s12, s12, $0xb8;
	[tilespmem:$0xB0E0] =	vst v63  }
0x48: {  	_ =	swait.ge [sflag:s11], $0x1400  }
0x49: {  	[sflag:s11] =	ssyncset.done $0x0  }
0x4a: {  	[sflag:s11] =	ssyncadd.s32 $0xFFFFEC00  }
0x4b: {  	[bflag:$0x0] =	sbarrier.arrive $0xFFFF  }
0x4c: {  	[hbm:s5], [sflag:s15] =	dma.local [spmem:s16], $0x1380  }
0x4d: {  	s18 =	sadd.s32 $0x1, s18;
	_ =	swait.ge [sflag:s11], $0x1380  }
0x4e: {  	p1 =	sne.s32 s18, s7;
	[sflag:s11] =	ssyncset.done $0x0  }
.Ltmp1:
0x4f: {  	s19 =	simm.s32 @!p0 $0x2;
	[sflag:s11] =	ssyncadd.s32 $0xFFFFEC80;
	(pc) =	sbr.rel @p1 .LBB2_1-.Ltmp1, $4  }
0x50: {  	[hbm:s6], [sflag:s15] =	dma.local @!p0 [spmem:s17], $0x80  }
0x51: {  	_ =	swait.ge @!p0 [sflag:s19], $0x80  }
0x52: {  	[sflag:s19] =	ssyncset.done @!p0 $0x0  }
0x53: {  	[sflag:s19] =	ssyncadd.s32 @!p0 $0xFFFFFF80  }
0x54: {  	_ =	sfence.sel $0x180000  }
0x55: {  	[bflag:$0x0] =	sbarrier.arrive $0xFFFF  }
0x56: {  	_ =	strace $0x9000004D  }
0x57: {  	s0 =	sadd.s32 @!p0 $0x100000, s0;
	[bflag:$0x2] =	sbarrier.arrive $0xFFFF  }
0x58: {  	[sflag:s0] =	ssyncadd.tile.s32 @!p0 $0x1;
	_ =	shalt  }
.Lfunc_end2:
_tile_overlayer_lowered:
.L_overlay_start_2:
0x59: {  	(tag) =	ssettag $0x2  }
0x5a: {  	s0 =	rddreg [dreg:$0x0];
	s2 =	stileid.u32  }
0x5b: {  	s1 =	rddreg [dreg:$0x1];
	p0 =	sne.s32 s2, $0x0  }
0x5c: {  	s3 =	rddreg [dreg:$0x2];
	[bflag:$0x3] =	sbarrier.arrive $0xFFFF;
	s2 =	simm.s32 @!p0 $0x1C02  }
0x5d: {  	[timem:s3], [sflag:s2] =	dma.local @!p0 [hbm:s0], s1  }
0x5e: {  	s0 =	simm.s32 @!p0 $0x2  }
0x5f: {  	_ =	swait.ge @!p0 [sflag:s0], s1  }
0x60: {  	s1 =	ssub.s32 @!p0 $0x0, s1;
	[sflag:s0] =	ssyncset.done @!p0 $0x0  }
0x61: {  	[sflag:s0] =	ssyncadd.s32 @!p0 s1  }
0x62: {  	[bflag:$0x3] =	sbarrier.arrive $0xFFFF  }
0x63: {  	_ =	shalt  }

// kernel: kernel.18.cloned.1.call-start
scs
__scs_entry_jumppad:
0x0: {  	(pc) =	sbr.rel $0x88, $3  }
0x1: {  	(tag) =	ssettag $0x0;
	lr =	simm.s32 $0x1  }
0x2: {  	[smem:$0x3F97] =	sst lr;
	_ =	strace $0xD0000000  }
0x3: {  	_ = 	snop  }
0x4: {  	_ = 	snop  }
0x5: {  	_ = 	snop  }
0x6: {  	_ = 	snop  }
0x7: {  	_ = 	snop  }
__scs_overlays_trampoline_lowered:
0x8: {  	[smem:$0x3FA6] =	sst s0  }
0x9: {  	[smem:$0x3FA7] =	sst s1  }
0xa: {  	[smem:$0x3FA8] =	sst s2  }
0xb: {  	[smem:$0x3FA9] =	sst s3  }
0xc: {  	[smem:$0x3FAA] =	sst s4  }
0xd: {  	[smem:$0x3FAB] =	sst s5  }
0xe: {  	[smem:$0x3FAC] =	sst s6  }
0xf: {  	[smem:$0x3FAD] =	sst s7  }
0x10: {  	[smem:$0x3FAE] =	sst s8  }
0x11: {  	[smem:$0x3FAF] =	sst s9;
	s0 =	simm.s32 @!p0 $0x0  }
0x12: {  	s1 =	sld [smem:$0x3F95];
	s0 =	simm.s32 @p0 $0x1  }
0x13: {  	[smem:$0x3FB0] =	sst s0;
	s0 =	simm.s32 @!p1 $0x0  }
0x14: {  	s2 =	sld [smem:$0x3F94];
	s0 =	simm.s32 @p1 $0x1  }
0x15: {  	[smem:$0x3FB1] =	sst s0;
	s0 =	simm.s32 @!p2 $0x0  }
0x16: {  	s3 =	sld [smem:$0x3FDB];
	s0 =	simm.s32 @p2 $0x1  }
0x17: {  	s4 =	simm.s32 $0x1BF5;
	[smem:$0x3FB3] =	sst s0  }
0x18: {  	s0 =	sld [smem:$0x3F96];
	_ =	swait.ge [sflag:s4], $0x0  }
0x19: {  	s7 =	sld [smem:$0x3F97]  }
0x1a: {  	s8 =	sadd.s32 $0xFFFFE003, lr  }
0x1b: {  	s9 =	sadd.s32 $0xFFFFFEF7, lr;
	s5 =	simm.s32 $0xFFFFFFFF;
	p2 =	slt.u32 s8, $0xFFFFF086  }
0x1c: {  	p1 =	slt.u32 s9, $0xF7A;
	s5 =	simm.s32 @!p2 $0x0  }
0x1d: {  	s5 =	simm.s32 @p1 $0x1;
	p0 =	seq.s32 s7, s2  }
0x1e: {  	s7 =	smul.u32 @!p0 $0xF7A, s2;
	p2 =	seq.s32 @!p0 s5, $0x0  }
0x1f: {  	s9 =	smul.u32 $0xF7A, s1;
	s8 =	simm.s32 @!p0 $0x1BF5;
	p2 =	por !p2, p0  }
0x20: {  	[sflag:s8] =	ssyncset.s32 @!p0 $0xFFFFF086;
	s6 =	sadd.s32 @!p0 s3, s7;
	s7 =	simm.s32 @!p0 $0x108  }
0x21: {  	s3 =	sadd.s32 s3, s9;
	s6 =	sadd.s32 @!p0 $0x88, s6;
	s7 =	simm.s32 @p2 $0x1082  }
0x22: {  	[simem:s7], [sflag:s8] =	dma.local @!p0 [hbm:s6], $0xF7A  }
0x23: {  	s9 =	sor.u32 $0xD0000000, s2;
	s6 =	simm.s32 $0x108;
	_ =	swait.ge @!p0 [sflag:s8], $0x0  }
0x24: {  	s3 =	sadd.s32 $0x88, s3;
	s6 =	simm.s32 @!p1 $0x1082;
	[sflag:s4] =	ssyncset.s32 $0xFFFFF086  }
0x25: {  	[simem:s6], [sflag:s4] =	dma.local [hbm:s3], $0xF7A  }
0x26: {  	[smem:$0x3F97] =	sst s1;
	(tag) =	ssettag s2;
	_ =	strace s9  }
0x27: {  	s1 =	sld [smem:$0x3FA7]  }
0x28: {  	s2 =	sld [smem:$0x3FA8]  }
0x29: {  	s4 =	sld [smem:$0x3FAA]  }
0x2a: {  	p0 =	seq.s32 s5, $0x0;
	s5 =	sld [smem:$0x3FAB]  }
0x2b: {  	s6 =	sld [smem:$0x3FAC]  }
0x2c: {  	s7 =	sld [smem:$0x3FAD]  }
0x2d: {  	s3 =	simm.s32 $0x108;
	s8 =	sld [smem:$0x3FAE]  }
0x2e: {  	s3 =	simm.s32 @!p0 $0x1082;
	s9 =	sld [smem:$0x3FAF]  }
0x2f: {  	lr =	sadd.s32 s0, s3;
	s0 =	sld [smem:$0x3FA6]  }
0x30: {  	s3 =	sld [smem:$0x3FA9]  }
0x31: {  	[smem:$0x3FB2] =	sst s10  }
0x32: {  	s10 =	sld [smem:$0x3FB0];
	_ =	sdelay $0x3  }
0x33: {  	p0 =	seq.s32 s10, $0x1;
	s10 =	sld [smem:$0x3FB2];
	_ =	sdelay $0x3  }
0x34: {  	[smem:$0x3FB2] =	sst s10  }
0x35: {  	s10 =	sld [smem:$0x3FB1];
	_ =	sdelay $0x3  }
0x36: {  	p1 =	seq.s32 s10, $0x1;
	s10 =	sld [smem:$0x3FB2];
	_ =	sdelay $0x3  }
0x37: {  	[smem:$0x3FB2] =	sst s10  }
0x38: {  	s10 =	sld [smem:$0x3FB3]  }
0x39: {  	_ = 	snop;
	(pc) =	sbr.ind lr, $3  }
0x3a: {  	_ = 	snop  }
0x3b: {  	_ = 	snop  }
0x3c: {  	p2 =	seq.s32 s10, $0x1;
	s10 =	sld [smem:$0x3FB2]  }
0x3d: {  	_ =	shalt  }
0x3e: {  	_ =	shalt  }
0x3f: {  	_ =	shalt  }
0x40: {  	_ =	shalt  }
0x41: {  	_ =	shalt  }
0x42: {  	_ =	shalt  }
0x43: {  	_ =	shalt  }
0x44: {  	_ =	shalt  }
0x45: {  	_ =	shalt  }
0x46: {  	_ =	shalt  }
0x47: {  	_ =	shalt  }
0x48: {  	_ =	shalt  }
0x49: {  	_ =	shalt  }
0x4a: {  	_ =	shalt  }
0x4b: {  	_ =	shalt  }
0x4c: {  	_ =	shalt  }
0x4d: {  	_ =	shalt  }
0x4e: {  	_ =	shalt  }
0x4f: {  	_ =	shalt  }
0x50: {  	_ =	shalt  }
0x51: {  	_ =	shalt  }
0x52: {  	_ =	shalt  }
0x53: {  	_ =	shalt  }
0x54: {  	_ =	shalt  }
0x55: {  	_ =	shalt  }
0x56: {  	_ =	shalt  }
0x57: {  	_ =	shalt  }
0x58: {  	_ =	shalt  }
0x59: {  	_ =	shalt  }
0x5a: {  	_ =	shalt  }
0x5b: {  	_ =	shalt  }
0x5c: {  	_ =	shalt  }
0x5d: {  	_ =	shalt  }
0x5e: {  	_ =	shalt  }
0x5f: {  	_ =	shalt  }
0x60: {  	_ =	shalt  }
0x61: {  	_ =	shalt  }
0x62: {  	_ =	shalt  }
0x63: {  	_ =	shalt  }
0x64: {  	_ =	shalt  }
0x65: {  	_ =	shalt  }
0x66: {  	_ =	shalt  }
0x67: {  	_ =	shalt  }
0x68: {  	_ =	shalt  }
0x69: {  	_ =	shalt  }
0x6a: {  	_ =	shalt  }
0x6b: {  	_ =	shalt  }
0x6c: {  	_ =	shalt  }
0x6d: {  	_ =	shalt  }
0x6e: {  	_ =	shalt  }
0x6f: {  	_ =	shalt  }
0x70: {  	_ =	shalt  }
0x71: {  	_ =	shalt  }
0x72: {  	_ =	shalt  }
0x73: {  	_ =	shalt  }
0x74: {  	_ =	shalt  }
0x75: {  	_ =	shalt  }
0x76: {  	_ =	shalt  }
0x77: {  	_ =	shalt  }
0x78: {  	_ =	shalt  }
0x79: {  	_ =	shalt  }
0x7a: {  	_ =	shalt  }
0x7b: {  	_ =	shalt  }
0x7c: {  	_ =	shalt  }
0x7d: {  	_ =	shalt  }
0x7e: {  	_ =	shalt  }
0x7f: {  	_ =	shalt  }
0x80: {  	_ =	shalt  }
0x81: {  	_ =	shalt  }
0x82: {  	_ =	shalt  }
0x83: {  	_ =	shalt  }
0x84: {  	_ =	shalt  }
0x85: {  	_ =	shalt  }
0x86: {  	_ =	shalt  }
0x87: {  	_ =	shalt  }
.Lfunc_end0:
.L_simem_size_0:
called_computation.3_lowered:
.L_overlay_start_0:
0x88: {  	s2 =	sld [smem:$0x3FD9]  }
0x89: {  	s3 =	sld [smem:$0x3FFE];
	_ =	sdelay $0x1  }
0x8a: {  	s1 =	srdreg.scid  }
0x8b: {  	s0 =	sand.u32 $0x1, s1  }
0x8c: {  	s14 =	sshll.u32 s0, $0xA;
	s2 =	sadd.s32 s3, s2  }
0x8d: {  	s2 =	sadd.s32 s2, s14  }
0x8e: {  	[smem:$0x3FBE] =	sst s2  }
0x8f: {  	_ = 	snop  }
0x90: {  	s2 =	sld [smem:$0x3FD0];
	_ =	sdelay $0x2  }
0x91: {  	s15 =	simm.s32 $0xA;
	s4 =	simm.s32 $0x10  }
0x92: {  	[smem:s4], [sflag:s15] =	dma.local [hbm:s2], $0x1  }
0x93: {  	_ =	swait.eq [sflag:s15], $0x1  }
0x94: {  	[sflag:s15] =	ssyncset.done $0x0  }
0x95: {  	[sflag:s15] =	ssyncadd.s32 $0xFFFFFFFF  }
0x96: {  	s16 =	sld [smem:$0x10];
	(tm) =	ssettm $0x1  }
0x97: {  	s17 =	sld [smem:$0x3FFB];
	_ =	sdelay $0x3  }
0x98: {  	_ =	strace s17  }
0x99: {  	s3 =	sld [smem:$0x3FFC];
	_ =	sdelay $0x3  }
0x9a: {  	_ =	strace s3  }
0x9b: {  	s3 =	sld [smem:$0x3FFD];
	_ =	sdelay $0x3  }
0x9c: {  	_ =	strace s3  }
0x9d: {  	_ =	strace $0x8FFFFFFF  }
0x9e: {  	s18 =	sld [smem:$0x3FDB];
	_ =	sdelay $0x1  }
0x9f: {  	s19 =	simm.s32 $_scs_section_size  }
0xa0: {  	s5 =	simm.s32 $_size__tile_overlayer_lowered;
	s6 =	simm.s32 $_tile_overlayer_lowered  }
0xa1: {  	s22 =	simm.s32 $0x1BFF;
	s21 =	sshll.u32 s6, $0x1;
	s3 =	sadd.s32 s19, s18  }
0xa2: {  	s7 =	simm.s32 $0x0;
	s20 =	sshll.u32 s5, $0x1;
	s5 =	sadd.s32 s21, s3  }
0xa3: {  	[timem:s7], [sflag:s22] =	dma.local [hbm:s5], s20  }
0xa4: {  	_ =	swait.ge [sflag:s22], s20  }
0xa5: {  	s4 =	ssub.s32 $0x0, s20;
	[sflag:s22] =	ssyncset.done $0x0  }
0xa6: {  	[sflag:s22] =	ssyncadd.s32 s4;
	_ =	sdelay $0x1  }
0xa7: {  	s23 =	simm.s32 $0x1B8B  }
0xa8: {  	_ =	swait.ge [sflag:s23], $0x1  }
0xa9: {  	[sflag:s23] =	ssyncset.done $0x0  }
0xaa: {  	s25 =	simm.s32 $0x1B8E;
	s24 =	sld [smem:$0x3FFE];
	[sflag:s23] =	ssyncadd.s32 $0xFFFFFFFF  }
0xab: {  	s26 =	simm.s32 $execute0_lowered;
	[smem:$0x3FD2] =	sst s25  }
0xac: {  	s5 =	sshll.u32 s26, $0x1;
	_ =	strace $0x8000004F;
	[dreg:$0x1] =	wrdreg $0xFFFFFFFF  }
0xad: {  	s28 =	simm.s32 $_size_execute0_lowered;
	s3 =	sadd.s32 s3, s5;
	[dreg:$0x0] =	wrdreg $0x0  }
0xae: {  	s5 =	sshll.u32 s28, $0x1;
	[dreg:$0x2] =	wrdreg s3  }
0xaf: {  	[dreg:$0x3] =	wrdreg s5  }
0xb0: {  	[dreg:$0x4] =	wrdreg $0xC0  }
0xb1: {  	_ =	task [dreg:s7], $0x5FFFF  }
0xb2: {  	[dreg:$0x1] =	wrdreg $0xFFFFFFFF  }
0xb3: {  	[dreg:$0x0] =	wrdreg $0x60  }
0xb4: {  	[dreg:$0x2] =	wrdreg s24  }
0xb5: {  	[dreg:$0x3] =	wrdreg s16  }
0xb6: {  	[dreg:$0x4] =	wrdreg $0x9  }
0xb7: {  	_ =	task.clear_ibuf [dreg:s7], $0x5FFFF;
	_ =	strace $0x9000004F  }
0xb8: {  	s29 =	simm.s32 $0x9;
	_ =	strace $0x80000051  }
0xb9: {  	_ =	swait.ge [sflag:s29], $0x1  }
0xba: {  	[sflag:s29] =	ssyncadd.s32 $0xFFFFFFFF  }
0xbb: {  	_ =	strace $0x90000051  }
0xbc: {  	_ =	sfence  }
0xbd: {  	s30 =	sld [smem:$0x0];
	_ =	sdelay $0x2  }
0xbe: {  	s31 =	sshll.u32 s1, $0xD;
	s1 =	sshrl.u32 s1, $0x2  }
0xbf: {  	s3 =	sand.u32 $0x4000, s31;
	s1 =	sadd.s32 s1, s30  }
0xc0: {  	s0 =	sor.u32 s3, s0;
	s1 =	sshll.u32 s1, $0x11  }
0xc1: {  	s0 =	sor.u32 s1, s0  }
0xc2: {  	s0 =	sadd.s32 $0x8F2B, s0  }
0xc3: {  	[sflag:s0] =	ssyncadd.remote.s32 $0x1  }
0xc4: {  	_ =	sfence.sel $0xFFFF  }
0xc5: {  	[dreg:$0x0] =	wrdreg $0xFFFFFFFF;
	(pc) =	sbr.abs _section_cstart, $3  }
0xc6: {  	[dreg:$0x1] =	wrdreg $0xFFFFFFFF  }
0xc7: {  	_ =	task.clear_ibuf [dreg:s7], $0x2FFFF;
	_ =	strace $0x9FFFFFFF  }
0xc8: {  	(tm) =	ssettm $0x7FFFFFFF  }
0xc9: {  	_ =	shalt  }
tec
execute0_lowered:
.L_overlay_start_1:
0x0: {  	(tag) =	ssettag $0x1  }
0x1: {  	s8 =	rddreg [dreg:$0x0]  }
0x2: {  	s1 =	rddreg [dreg:$0x1]  }
0x3: {  	s0 =	rddreg [dreg:$0x2];
	s2 =	simm.s32 $0x0  }
0x4: {  	s5 =	srdreg.scid;
	s12 =	simm.s32 $0x3;
	s13 =	simm.s32 $0x50  }
0x5: {  	s14 =	simm.s32 $0xA0;
	s15 =	simm.s32 $0x14A0;
	s16 =	simm.s32 $0x1  }
0x6: {  	s17 =	simm.s32 $0x2;
	s18 =	simm.s32 $0x28F0;
	s19 =	simm.s32 $0x28A0  }
0x7: {  	s20 =	simm.s32 $0x0;
	[smem:$0x7FF] =	sst s2;
	s3 =	sadd.s32 $0x4FA00, s8  }
0x8: {  	s4 =	sadd.s32 $0x63400, s8;
	s9 =	sand.u32 $0x1, s5;
	s6 =	sadd.s32 $0x14C00, s8  }
0x9: {  	s7 =	sadd.s32 $0x1200, s8;
	s5 =	stileid.u32;
	s10 =	ssub.s32 $0x2, s9  }
0xa: {  	s8 =	sadd.s32 $0x28600, s8;
	s9 =	sshll.u32 s9, $0x4;
	s11 =	sshrl.u32 s10, $0x1  }
0xb: {  	v0 =	vlaneseq.u32;
	_ =	strace $0x80000050;
	s9 =	sor.u32 s5, s9;
	s10 =	ssub.s32 s10, s11  }
0xc: {  	v0 =	vmul.u32 $0x10, v0;
	s9 =	smul.u32 $0x4E20, s9;
	s11 =	simm.s32 $0x29F0;
	s10 =	smax.u32 s10, $0x1  }
.LBB2_1:
0xd: {  	[tilespmem:s11], [sflag:$0x3] =	stream.linear.gather [hbm4b:s1+s2], $0x10, $0x38;
	[tilespmem:$0x2A00] =	vst v63  }
0xe: {  	_ =	swait.ge [sflag:s12], $0x10  }
0xf: {  	[sflag:s12] =	ssyncset.done $0x0  }
0x10: {  	[sflag:s12] =	ssyncadd.s32 $0xFFFFFFF0  }
0x11: {  	s21 =	simm.s32 $0x0;
	v1 =	vld [tilespmem:$0x29F0]  }
.LBB2_2:
0x12: {  	s22 =	smul.u32 $0x50, s21;
	_ =	sdelay $0x1  }
0x13: {  	s22 =	sadd.s32 s9, s22  }
0x14: {  	s22 =	sshrl.u32 s22, $0x3  }
0x15: {  	s23 =	simm.s32 $0x0;
	s24 =	sadd.s32 s3, s22  }
0x16: {  	[tilespmem:s23], [sflag:$0x3] =	stream.linear.gather [hbm4b:s24+s23], $0x50, $0x38;
	[tilespmem:$0x2A00] =	vst v63  }
0x17: {  	_ =	swait.ge [sflag:s12], $0x50  }
0x18: {  	[sflag:s12] =	ssyncset.done $0x0  }
0x19: {  	s31 =	sadd.s32 s4, s22;
	[sflag:s12] =	ssyncadd.s32 $0xFFFFFFB0  }
0x1a: {  	[tilespmem:s13], [sflag:$0x3] =	stream.linear.gather [hbm4b:s31+s23], $0x50, $0x38;
	[tilespmem:$0x2A00] =	vst v63  }
0x1b: {  	_ =	swait.ge [sflag:s12], $0x50  }
0x1c: {  	[sflag:s12] =	ssyncset.done $0x0  }
0x1d: {  	[sflag:s12] =	ssyncadd.s32 $0xFFFFFFB0  }
0x1e: {  	[tilespmem:s14], [sflag:$0x1] =	stream.indirect.gather [hbm4b:s6+s13], $0x40, s23, s13, $0xb8;
	[tilespmem:$0x2A00] =	vst v63  }
0x1f: {  	_ = 	snop  }
0x20: {  	[tilespmem:s15], [sflag:$0x2] =	stream.indirect.gather [hbm4b:s7+s13], $0x40, s13, s13, $0xb8;
	[tilespmem:$0x2A00] =	vst v63  }
0x21: {  	_ =	swait.ge [sflag:s16], $0x1400  }
0x22: {  	[sflag:s16] =	ssyncset.done $0x0  }
0x23: {  	[sflag:s16] =	ssyncadd.s32 $0xFFFFEC00  }
0x24: {  	_ =	swait.ge [sflag:s17], $0x1400  }
0x25: {  	[sflag:s17] =	ssyncset.done $0x0  }
0x26: {  	s25 =	simm.s32 $0x14C0;
	s24 =	simm.s32 $0xC0;
	[sflag:s17] =	ssyncadd.s32 $0xFFFFEC00  }
.LBB2_3:
0x27: {  	v2 =	vld [tilespmem:s25+$0xFFFFFFE0]  }
0x28: {  	v3 =	vld [tilespmem:s24+$0xFFFFFFE0]  }
0x29: {  	v4 =	vld [tilespmem:s24+$0xFFFFFFF0];
	s30 =	simm.s32 $0x1  }
0x2a: {  	v5 =	vld [tilespmem:s25+$0xFFFFFFF0];
	s28 =	smov.u32 s24;
	s29 =	smov.u32 s25;
	s26 =	simm.s32 $0x0  }
.LBB2_4:
0x2b: {  	p0 =	sne.s32 s30, $0xF;
	v6 =	vld [tilespmem:s28+$0x0]  }
0x2c: {  	v7 =	vld [tilespmem:s29+$0x0]  }
0x2d: {  	v8 =	vld [tilespmem:s28+$0x10]  }
0x2e: {  	v9 =	vld [tilespmem:s29+$0x10]  }
0x2f: {  	v2 =	vmul.f32 v2, v3;
	v3 =	vmul.f32 v5, v4;
	_ =	sdelay $0x1  }
0x30: {  	v2 =	vadd.f32 v3, v2;
	v3 =	vmul.f32 v7, v6  }
0x31: {  	v4 =	vor.u32 s26, v0;
	s26 =	smov.u32 s30  }
0x32: {  	v2 =	vadd.f32 v3, v2;
	v3 =	vmul.f32 v9, v8;
	_ =	sdelay $0x1  }
0x33: {  	v2 =	vadd.f32 v3, v2;
	_ =	sdelay $0x1  }
.Ltmp0:
0x34: {  	s29 =	sadd.s32 $0x40, s29;
	[tilespmem:v4+s18+$0x0] =	vst.idx.msk $0xffff, v2;
	(pc) =	sbr.rel @p0 .LBB2_4-.Ltmp0, $4  }
0x35: {  	s28 =	sadd.s32 $0x40, s28;
	v2 =	vld [tilespmem:s29+$0xFFFFFFE0]  }
0x36: {  	v3 =	vld [tilespmem:s28+$0xFFFFFFE0]  }
0x37: {  	v4 =	vld [tilespmem:s28+$0xFFFFFFF0]  }
0x38: {  	s30 =	sadd.s32 $0x1, s30;
	v5 =	vld [tilespmem:s29+$0xFFFFFFF0]  }
0x39: {  	v6 =	vld [tilespmem:s28+$0x0]  }
0x3a: {  	v7 =	vld [tilespmem:s29+$0x0]  }
0x3b: {  	v8 =	vld [tilespmem:s28+$0x10]  }
0x3c: {  	v9 =	vld [tilespmem:s29+$0x10]  }
0x3d: {  	v2 =	vmul.f32 v2, v3;
	v3 =	vmul.f32 v5, v4;
	_ =	sdelay $0x1  }
0x3e: {  	v2 =	vadd.f32 v3, v2;
	v3 =	vmul.f32 v7, v6  }
0x3f: {  	v54 =	vor.u32 s26, v0  }
0x40: {  	v2 =	vadd.f32 v3, v2;
	v3 =	vmul.f32 v9, v8;
	_ =	sdelay $0x1  }
0x41: {  	v2 =	vadd.f32 v3, v2;
	_ =	sdelay $0x1  }
0x42: {  	[tilespmem:v54+s18+$0x0] =	vst.idx.msk $0xffff, v2  }
0x43: {  	v2 =	vld [tilespmem:$0x28F0];
	_ =	sdelay $0x1  }
0x44: {  	v3 =	vld [tilespmem:$0x2900];
	_ =	sdelay $0x1  }
0x45: {  	v4 =	vld [tilespmem:$0x2910]  }
0x46: {  	v2 =	vadd.f32 v2, v1  }
0x47: {  	v55 =	vld [tilespmem:$0x2920]  }
0x48: {  	v2 =	vadd.f32 v3, v2  }
0x49: {  	v3 =	vld [tilespmem:$0x2930]  }
0x4a: {  	v2 =	vadd.f32 v4, v2  }
0x4b: {  	v56 =	vld [tilespmem:$0x2940]  }
0x4c: {  	v2 =	vadd.f32 v55, v2  }
0x4d: {  	v57 =	vld [tilespmem:$0x2950]  }
0x4e: {  	v2 =	vadd.f32 v3, v2  }
0x4f: {  	v3 =	vld [tilespmem:$0x2960]  }
0x50: {  	v2 =	vadd.f32 v56, v2  }
0x51: {  	v58 =	vld [tilespmem:$0x2970]  }
0x52: {  	v2 =	vadd.f32 v57, v2  }
0x53: {  	v59 =	vld [tilespmem:$0x2980]  }
0x54: {  	v2 =	vadd.f32 v3, v2  }
0x55: {  	v3 =	vld [tilespmem:$0x2990]  }
0x56: {  	v2 =	vadd.f32 v58, v2  }
0x57: {  	v60 =	vld [tilespmem:$0x29A0]  }
0x58: {  	v2 =	vadd.f32 v59, v2  }
0x59: {  	v61 =	vld [tilespmem:$0x29B0]  }
0x5a: {  	v2 =	vadd.f32 v3, v2  }
0x5b: {  	v3 =	vld [tilespmem:$0x29C0]  }
0x5c: {  	v2 =	vadd.f32 v60, v2  }
0x5d: {  	v62 =	vld [tilespmem:$0x29D0]  }
0x5e: {  	v2 =	vadd.f32 v61, v2  }
0x5f: {  	v63 =	vld [tilespmem:$0x29E0]  }
0x60: {  	s31 =	sshll.u32 s23, $0x4;
	s23 =	sadd.s32 $0x1, s23;
	v2 =	vadd.f32 v3, v2  }
0x61: {  	p0 =	sne.s32 s23, $0x5  }
.Ltmp1:
0x62: {  	v2 =	vadd.f32 v62, v2;
	(pc) =	sbr.rel @p0 .LBB2_3-.Ltmp1, $4  }
0x63: {  	_ = 	snop  }
0x64: {  	v2 =	vadd.f32 v63, v2  }
0x65: {  	s26 =	sand.u32 $0x3FFFFFF0, s31  }
0x66: {  	s24 =	sadd.s32 $0x400, s24;
	s25 =	sadd.s32 $0x400, s25;
	[tilespmem:s26+$0x28A0] =	vst v2  }
0x67: {  	s21 =	sadd.s32 $0x1, s21  }
0x68: {  	p0 =	sne.s32 s21, $0xFA  }
.Ltmp2:
0x69: {  	s22 =	sadd.s32 s8, s22;
	(pc) =	sbr.rel @p0 .LBB2_2-.Ltmp2, $4  }
0x6a: {  	[hbm4b:s22+s2] =	stream.linear.scatter [tilespmem:s19], [sflag:$0x3], $0x50, $0x38;
	[tilespmem:$0x2A00] =	vst v63  }
0x6b: {  	_ =	swait.ge [sflag:s12], $0x50  }
0x6c: {  	[sflag:s12] =	ssyncset.done $0x0  }
0x6d: {  	[sflag:s12] =	ssyncadd.s32 $0xFFFFFFB0  }
0x6e: {  	s20 =	sadd.s32 $0x1, s20  }
0x6f: {  	p0 =	sne.s32 s20, s10  }
.Ltmp3:
0x70: {  	_ = 	snop;
	(pc) =	sbr.rel @p0 .LBB2_1-.Ltmp3, $1  }
0x71: {  	_ =	sdelay $0x3  }
0x72: {  	_ =	sfence.sel $0x180000  }
0x73: {  	[bflag:$0x0] =	sbarrier.arrive $0xFFFF  }
0x74: {  	p0 =	sne.s32 s5, $0x0;
	_ =	strace $0x90000050  }
0x75: {  	s0 =	sadd.s32 @!p0 $0x100000, s0;
	[bflag:$0x2] =	sbarrier.arrive $0xFFFF  }
0x76: {  	[sflag:s0] =	ssyncadd.tile.s32 @!p0 $0x1;
	_ =	shalt  }
.Lfunc_end2:
_tile_overlayer_lowered:
.L_overlay_start_2:
0x77: {  	(tag) =	ssettag $0x2  }
0x78: {  	s0 =	rddreg [dreg:$0x0];
	s2 =	stileid.u32  }
0x79: {  	s1 =	rddreg [dreg:$0x1];
	p0 =	sne.s32 s2, $0x0  }
0x7a: {  	s3 =	rddreg [dreg:$0x2];
	[bflag:$0x3] =	sbarrier.arrive $0xFFFF;
	s2 =	simm.s32 @!p0 $0x1C03  }
0x7b: {  	[timem:s3], [sflag:s2] =	dma.local @!p0 [hbm:s0], s1  }
0x7c: {  	s0 =	simm.s32 @!p0 $0x3  }
0x7d: {  	_ =	swait.ge @!p0 [sflag:s0], s1  }
0x7e: {  	s1 =	ssub.s32 @!p0 $0x0, s1;
	[sflag:s0] =	ssyncset.done @!p0 $0x0  }
0x7f: {  	[sflag:s0] =	ssyncadd.s32 @!p0 s1  }
0x80: {  	[bflag:$0x3] =	sbarrier.arrive $0xFFFF  }
0x81: {  	_ =	shalt  }

// kernel: kernel.9.cloned.1.call-start
scs
__scs_entry_jumppad:
0x0: {  	(pc) =	sbr.rel $0x88, $3  }
0x1: {  	(tag) =	ssettag $0x0;
	lr =	simm.s32 $0x1  }
0x2: {  	[smem:$0x3F97] =	sst lr;
	_ =	strace $0xD0000000  }
0x3: {  	_ = 	snop  }
0x4: {  	_ = 	snop  }
0x5: {  	_ = 	snop  }
0x6: {  	_ = 	snop  }
0x7: {  	_ = 	snop  }
__scs_overlays_trampoline_lowered:
0x8: {  	[smem:$0x3FA6] =	sst s0  }
0x9: {  	[smem:$0x3FA7] =	sst s1  }
0xa: {  	[smem:$0x3FA8] =	sst s2  }
0xb: {  	[smem:$0x3FA9] =	sst s3  }
0xc: {  	[smem:$0x3FAA] =	sst s4  }
0xd: {  	[smem:$0x3FAB] =	sst s5  }
0xe: {  	[smem:$0x3FAC] =	sst s6  }
0xf: {  	[smem:$0x3FAD] =	sst s7  }
0x10: {  	[smem:$0x3FAE] =	sst s8  }
0x11: {  	[smem:$0x3FAF] =	sst s9;
	s0 =	simm.s32 @!p0 $0x0  }
0x12: {  	s1 =	sld [smem:$0x3F95];
	s0 =	simm.s32 @p0 $0x1  }
0x13: {  	[smem:$0x3FB0] =	sst s0;
	s0 =	simm.s32 @!p1 $0x0  }
0x14: {  	s2 =	sld [smem:$0x3F94];
	s0 =	simm.s32 @p1 $0x1  }
0x15: {  	[smem:$0x3FB1] =	sst s0;
	s0 =	simm.s32 @!p2 $0x0  }
0x16: {  	s3 =	sld [smem:$0x3FDB];
	s0 =	simm.s32 @p2 $0x1  }
0x17: {  	s4 =	simm.s32 $0x1BF5;
	[smem:$0x3FB3] =	sst s0  }
0x18: {  	s0 =	sld [smem:$0x3F96];
	_ =	swait.ge [sflag:s4], $0x0  }
0x19: {  	s7 =	sld [smem:$0x3F97]  }
0x1a: {  	s8 =	sadd.s32 $0xFFFFE003, lr  }
0x1b: {  	s9 =	sadd.s32 $0xFFFFFEF7, lr;
	s5 =	simm.s32 $0xFFFFFFFF;
	p2 =	slt.u32 s8, $0xFFFFF086  }
0x1c: {  	p1 =	slt.u32 s9, $0xF7A;
	s5 =	simm.s32 @!p2 $0x0  }
0x1d: {  	s5 =	simm.s32 @p1 $0x1;
	p0 =	seq.s32 s7, s2  }
0x1e: {  	s7 =	smul.u32 @!p0 $0xF7A, s2;
	p2 =	seq.s32 @!p0 s5, $0x0  }
0x1f: {  	s9 =	smul.u32 $0xF7A, s1;
	s8 =	simm.s32 @!p0 $0x1BF5;
	p2 =	por !p2, p0  }
0x20: {  	[sflag:s8] =	ssyncset.s32 @!p0 $0xFFFFF086;
	s6 =	sadd.s32 @!p0 s3, s7;
	s7 =	simm.s32 @!p0 $0x108  }
0x21: {  	s3 =	sadd.s32 s3, s9;
	s6 =	sadd.s32 @!p0 $0x88, s6;
	s7 =	simm.s32 @p2 $0x1082  }
0x22: {  	[simem:s7], [sflag:s8] =	dma.local @!p0 [hbm:s6], $0xF7A  }
0x23: {  	s9 =	sor.u32 $0xD0000000, s2;
	s6 =	simm.s32 $0x108;
	_ =	swait.ge @!p0 [sflag:s8], $0x0  }
0x24: {  	s3 =	sadd.s32 $0x88, s3;
	s6 =	simm.s32 @!p1 $0x1082;
	[sflag:s4] =	ssyncset.s32 $0xFFFFF086  }
0x25: {  	[simem:s6], [sflag:s4] =	dma.local [hbm:s3], $0xF7A  }
0x26: {  	[smem:$0x3F97] =	sst s1;
	(tag) =	ssettag s2;
	_ =	strace s9  }
0x27: {  	s1 =	sld [smem:$0x3FA7]  }
0x28: {  	s2 =	sld [smem:$0x3FA8]  }
0x29: {  	s4 =	sld [smem:$0x3FAA]  }
0x2a: {  	p0 =	seq.s32 s5, $0x0;
	s5 =	sld [smem:$0x3FAB]  }
0x2b: {  	s6 =	sld [smem:$0x3FAC]  }
0x2c: {  	s7 =	sld [smem:$0x3FAD]  }
0x2d: {  	s3 =	simm.s32 $0x108;
	s8 =	sld [smem:$0x3FAE]  }
0x2e: {  	s3 =	simm.s32 @!p0 $0x1082;
	s9 =	sld [smem:$0x3FAF]  }
0x2f: {  	lr =	sadd.s32 s0, s3;
	s0 =	sld [smem:$0x3FA6]  }
0x30: {  	s3 =	sld [smem:$0x3FA9]  }
0x31: {  	[smem:$0x3FB2] =	sst s10  }
0x32: {  	s10 =	sld [smem:$0x3FB0];
	_ =	sdelay $0x3  }
0x33: {  	p0 =	seq.s32 s10, $0x1;
	s10 =	sld [smem:$0x3FB2];
	_ =	sdelay $0x3  }
0x34: {  	[smem:$0x3FB2] =	sst s10  }
0x35: {  	s10 =	sld [smem:$0x3FB1];
	_ =	sdelay $0x3  }
0x36: {  	p1 =	seq.s32 s10, $0x1;
	s10 =	sld [smem:$0x3FB2];
	_ =	sdelay $0x3  }
0x37: {  	[smem:$0x3FB2] =	sst s10  }
0x38: {  	s10 =	sld [smem:$0x3FB3]  }
0x39: {  	_ = 	snop;
	(pc) =	sbr.ind lr, $3  }
0x3a: {  	_ = 	snop  }
0x3b: {  	_ = 	snop  }
0x3c: {  	p2 =	seq.s32 s10, $0x1;
	s10 =	sld [smem:$0x3FB2]  }
0x3d: {  	_ =	shalt  }
0x3e: {  	_ =	shalt  }
0x3f: {  	_ =	shalt  }
0x40: {  	_ =	shalt  }
0x41: {  	_ =	shalt  }
0x42: {  	_ =	shalt  }
0x43: {  	_ =	shalt  }
0x44: {  	_ =	shalt  }
0x45: {  	_ =	shalt  }
0x46: {  	_ =	shalt  }
0x47: {  	_ =	shalt  }
0x48: {  	_ =	shalt  }
0x49: {  	_ =	shalt  }
0x4a: {  	_ =	shalt  }
0x4b: {  	_ =	shalt  }
0x4c: {  	_ =	shalt  }
0x4d: {  	_ =	shalt  }
0x4e: {  	_ =	shalt  }
0x4f: {  	_ =	shalt  }
0x50: {  	_ =	shalt  }
0x51: {  	_ =	shalt  }
0x52: {  	_ =	shalt  }
0x53: {  	_ =	shalt  }
0x54: {  	_ =	shalt  }
0x55: {  	_ =	shalt  }
0x56: {  	_ =	shalt  }
0x57: {  	_ =	shalt  }
0x58: {  	_ =	shalt  }
0x59: {  	_ =	shalt  }
0x5a: {  	_ =	shalt  }
0x5b: {  	_ =	shalt  }
0x5c: {  	_ =	shalt  }
0x5d: {  	_ =	shalt  }
0x5e: {  	_ =	shalt  }
0x5f: {  	_ =	shalt  }
0x60: {  	_ =	shalt  }
0x61: {  	_ =	shalt  }
0x62: {  	_ =	shalt  }
0x63: {  	_ =	shalt  }
0x64: {  	_ =	shalt  }
0x65: {  	_ =	shalt  }
0x66: {  	_ =	shalt  }
0x67: {  	_ =	shalt  }
0x68: {  	_ =	shalt  }
0x69: {  	_ =	shalt  }
0x6a: {  	_ =	shalt  }
0x6b: {  	_ =	shalt  }
0x6c: {  	_ =	shalt  }
0x6d: {  	_ =	shalt  }
0x6e: {  	_ =	shalt  }
0x6f: {  	_ =	shalt  }
0x70: {  	_ =	shalt  }
0x71: {  	_ =	shalt  }
0x72: {  	_ =	shalt  }
0x73: {  	_ =	shalt  }
0x74: {  	_ =	shalt  }
0x75: {  	_ =	shalt  }
0x76: {  	_ =	shalt  }
0x77: {  	_ =	shalt  }
0x78: {  	_ =	shalt  }
0x79: {  	_ =	shalt  }
0x7a: {  	_ =	shalt  }
0x7b: {  	_ =	shalt  }
0x7c: {  	_ =	shalt  }
0x7d: {  	_ =	shalt  }
0x7e: {  	_ =	shalt  }
0x7f: {  	_ =	shalt  }
0x80: {  	_ =	shalt  }
0x81: {  	_ =	shalt  }
0x82: {  	_ =	shalt  }
0x83: {  	_ =	shalt  }
0x84: {  	_ =	shalt  }
0x85: {  	_ =	shalt  }
0x86: {  	_ =	shalt  }
0x87: {  	_ =	shalt  }
.Lfunc_end0:
.L_simem_size_0:
called_computation_lowered:
.L_overlay_start_0:
0x88: {  	s2 =	sld [smem:$0x3FD9]  }
0x89: {  	s3 =	sld [smem:$0x3FFE];
	_ =	sdelay $0x1  }
0x8a: {  	s1 =	srdreg.scid  }
0x8b: {  	s0 =	sand.u32 $0x1, s1  }
0x8c: {  	s14 =	sshll.u32 s0, $0xA;
	s2 =	sadd.s32 s3, s2  }
0x8d: {  	s2 =	sadd.s32 s2, s14  }
0x8e: {  	[smem:$0x3FBE] =	sst s2  }
0x8f: {  	_ = 	snop  }
0x90: {  	s2 =	sld [smem:$0x3FD0];
	_ =	sdelay $0x2  }
0x91: {  	s15 =	simm.s32 $0xA;
	s4 =	simm.s32 $0x10  }
0x92: {  	[smem:s4], [sflag:s15] =	dma.local [hbm:s2], $0x1  }
0x93: {  	_ =	swait.eq [sflag:s15], $0x1  }
0x94: {  	[sflag:s15] =	ssyncset.done $0x0  }
0x95: {  	[sflag:s15] =	ssyncadd.s32 $0xFFFFFFFF  }
0x96: {  	s16 =	sld [smem:$0x10];
	(tm) =	ssettm $0x1  }
0x97: {  	s17 =	sld [smem:$0x3FFB];
	_ =	sdelay $0x3  }
0x98: {  	_ =	strace s17  }
0x99: {  	s3 =	sld [smem:$0x3FFC];
	_ =	sdelay $0x3  }
0x9a: {  	_ =	strace s3  }
0x9b: {  	s3 =	sld [smem:$0x3FFD];
	_ =	sdelay $0x3  }
0x9c: {  	_ =	strace s3  }
0x9d: {  	_ =	strace $0x8FFFFFFF  }
0x9e: {  	s18 =	sld [smem:$0x3FDB];
	_ =	sdelay $0x1  }
0x9f: {  	s19 =	simm.s32 $_scs_section_size  }
0xa0: {  	s5 =	simm.s32 $_size__tile_overlayer_lowered;
	s6 =	simm.s32 $_tile_overlayer_lowered  }
0xa1: {  	s22 =	simm.s32 $0x1BFF;
	s21 =	sshll.u32 s6, $0x1;
	s3 =	sadd.s32 s19, s18  }
0xa2: {  	s7 =	simm.s32 $0x0;
	s20 =	sshll.u32 s5, $0x1;
	s5 =	sadd.s32 s21, s3  }
0xa3: {  	[timem:s7], [sflag:s22] =	dma.local [hbm:s5], s20  }
0xa4: {  	_ =	swait.ge [sflag:s22], s20  }
0xa5: {  	s4 =	ssub.s32 $0x0, s20;
	[sflag:s22] =	ssyncset.done $0x0  }
0xa6: {  	[sflag:s22] =	ssyncadd.s32 s4;
	_ =	sdelay $0x1  }
0xa7: {  	s23 =	simm.s32 $0x1B8B  }
0xa8: {  	_ =	swait.ge [sflag:s23], $0x1  }
0xa9: {  	[sflag:s23] =	ssyncset.done $0x0  }
0xaa: {  	s25 =	simm.s32 $0x1B8E;
	s24 =	sld [smem:$0x3FFE];
	[sflag:s23] =	ssyncadd.s32 $0xFFFFFFFF  }
0xab: {  	s26 =	simm.s32 $execute0_lowered;
	[smem:$0x3FD2] =	sst s25  }
0xac: {  	s5 =	sshll.u32 s26, $0x1;
	_ =	strace $0x80000046;
	[dreg:$0x1] =	wrdreg $0xFFFFFFFF  }
0xad: {  	s28 =	simm.s32 $_size_execute0_lowered;
	s3 =	sadd.s32 s3, s5;
	[dreg:$0x0] =	wrdreg $0x0  }
0xae: {  	s5 =	sshll.u32 s28, $0x1;
	[dreg:$0x2] =	wrdreg s3  }
0xaf: {  	[dreg:$0x3] =	wrdreg s5  }
0xb0: {  	[dreg:$0x4] =	wrdreg $0xC0  }
0xb1: {  	_ =	task [dreg:s7], $0x5FFFF  }
0xb2: {  	[dreg:$0x1] =	wrdreg $0xFFFFFFFF  }
0xb3: {  	[dreg:$0x0] =	wrdreg $0x60  }
0xb4: {  	[dreg:$0x2] =	wrdreg s16  }
0xb5: {  	[dreg:$0x3] =	wrdreg s24  }
0xb6: {  	[dreg:$0x4] =	wrdreg $0x9  }
0xb7: {  	_ =	task.clear_ibuf [dreg:s7], $0x5FFFF;
	_ =	strace $0x90000046  }
0xb8: {  	s29 =	simm.s32 $0x9;
	_ =	strace $0x80000048  }
0xb9: {  	_ =	swait.ge [sflag:s29], $0x1  }
0xba: {  	[sflag:s29] =	ssyncadd.s32 $0xFFFFFFFF  }
0xbb: {  	_ =	strace $0x90000048  }
0xbc: {  	_ =	sfence  }
0xbd: {  	s30 =	sld [smem:$0x0];
	_ =	sdelay $0x2  }
0xbe: {  	s31 =	sshll.u32 s1, $0xD;
	s1 =	sshrl.u32 s1, $0x2  }
0xbf: {  	s3 =	sand.u32 $0x4000, s31;
	s1 =	sadd.s32 s1, s30  }
0xc0: {  	s0 =	sor.u32 s3, s0;
	s1 =	sshll.u32 s1, $0x11  }
0xc1: {  	s0 =	sor.u32 s1, s0  }
0xc2: {  	s0 =	sadd.s32 $0x8F2B, s0  }
0xc3: {  	[sflag:s0] =	ssyncadd.remote.s32 $0x1  }
0xc4: {  	_ =	sfence.sel $0xFFFF  }
0xc5: {  	[dreg:$0x0] =	wrdreg $0xFFFFFFFF;
	(pc) =	sbr.abs _section_cstart, $3  }
0xc6: {  	[dreg:$0x1] =	wrdreg $0xFFFFFFFF  }
0xc7: {  	_ =	task.clear_ibuf [dreg:s7], $0x2FFFF;
	_ =	strace $0x9FFFFFFF  }
0xc8: {  	(tm) =	ssettm $0x7FFFFFFF  }
0xc9: {  	_ =	shalt  }
tec
execute0_lowered:
.L_overlay_start_1:
0x0: {  	(tag) =	ssettag $0x1  }
0x1: {  	s0 =	srdreg.scid;
	s3 =	rddreg [dreg:$0x0]  }
0x2: {  	s5 =	rddreg [dreg:$0x1];
	s1 =	stileid.u32;
	s4 =	sand.u32 $0x1, s0  }
0x3: {  	s2 =	simm.s32 $0x0;
	s8 =	simm.s32 $0x2;
	s6 =	sshll.u32 s4, $0x4  }
0x4: {  	s9 =	simm.s32 $0x0;
	s4 =	ssub.s32 $0x2, s4;
	s6 =	sor.u32 s1, s6  }
0x5: {  	[smem:$0x7FF] =	sst s2;
	s7 =	sshrl.u32 s4, $0x1;
	s6 =	smul.u32 $0x4E2, s6  }
0x6: {  	s0 =	rddreg [dreg:$0x2];
	_ =	strace $0x80000047;
	s7 =	ssub.s32 s4, s7  }
0x7: {  	s5 =	sadd.s32 s6, s5;
	s3 =	sadd.s32 s3, s6;
	s6 =	simm.s32 $0x1  }
0x8: {  	v0 =	vimm.f32 $0.0e+00;
	v1 =	vimm.f32 $1.000000000e+00;
	s4 =	sadd.s32 $0x1200, s5;
	s5 =	smax.u32 s7, $0x1;
	s7 =	simm.s32 $0x2710  }
.LBB2_1:
0x9: {  	[tilespmem:s2], [sflag:$0x1] =	stream.linear.gather [hbm4b:s3+s2], $0x2710, $0x38;
	[tilespmem:$0x4E20] =	vst v63  }
0xa: {  	s10 =	simm.s32 $0x40;
	s11 =	simm.s32 $0x0  }
.LBB2_2:
0xb: {  	p0 =	sne.s32 s10, $0x9C00;
	[tilespmem:s11+$0x2710] =	vst v0;
	s11 =	smov.u32 s10;
	s10 =	sadd.s32 $0x40, s10  }
.Ltmp0:
0xc: {  	(pc) =	sbr.rel @p0 .LBB2_2-.Ltmp0, $2  }
0xd: {  	_ =	sdelay $0x2  }
0xe: {  	s11 =	sshra.s32 s11, $0x2  }
0xf: {  	[tilespmem:s11+$0x2710] =	vst v0  }
0x10: {  	_ =	swait.ge [sflag:s6], $0x2710  }
0x11: {  	[sflag:s6] =	ssyncset.done $0x0  }
0x12: {  	s11 =	simm.s32 $0x0;
	s10 =	simm.s32 $0x40;
	[sflag:s6] =	ssyncadd.s32 $0xFFFFD8F0  }
.LBB2_4:
0x13: {  	p0 =	sne.s32 s10, $0x9C00;
	v2 =	vld [tilespmem:s11+$0x0];
	_ =	sdelay $0x3  }
.Ltmp1:
0x14: {  	(pc) =	sbr.rel @p0 .LBB2_4-.Ltmp1, $2  }
0x15: {  	_ =	sdelay $0x2  }
0x16: {  	s11 =	sshra.s32 s10, $0x2;
	s10 =	sadd.s32 $0x40, s10;
	[tilespmem:v2+s7+$0x0] =	vst.idx.add.f32.msk $0xffff, v1  }
0x17: {  	v2 =	vld [tilespmem:s11+$0x0];
	_ =	sdelay $0x5  }
0x18: {  	s9 =	sadd.s32 $0x1, s9  }
0x19: {  	p0 =	sne.s32 s9, s5  }
.Ltmp2:
0x1a: {  	[tilespmem:v2+s7+$0x0] =	vst.idx.add.f32.msk $0xffff, v1;
	(pc) =	sbr.rel @p0 .LBB2_1-.Ltmp2, $4  }
0x1b: {  	[hbm4b:s4+s2] =	stream.linear.scatter [tilespmem:s7], [sflag:$0x2], $0x2710, $0x38;
	[tilespmem:$0x4E20] =	vst v63  }
0x1c: {  	_ =	swait.ge [sflag:s8], $0x2710  }
0x1d: {  	[sflag:s8] =	ssyncset.done $0x0  }
0x1e: {  	[sflag:s8] =	ssyncadd.s32 $0xFFFFD8F0  }
0x1f: {  	_ =	sfence.sel $0x180000  }
0x20: {  	[bflag:$0x0] =	sbarrier.arrive $0xFFFF  }
0x21: {  	p0 =	sne.s32 s1, $0x0;
	_ =	strace $0x90000047  }
0x22: {  	s0 =	sadd.s32 @!p0 $0x100000, s0;
	[bflag:$0x2] =	sbarrier.arrive $0xFFFF  }
0x23: {  	[sflag:s0] =	ssyncadd.tile.s32 @!p0 $0x1;
	_ =	shalt  }
.Lfunc_end2:
_tile_overlayer_lowered:
.L_overlay_start_2:
0x24: {  	(tag) =	ssettag $0x2  }
0x25: {  	s0 =	rddreg [dreg:$0x0];
	s2 =	stileid.u32  }
0x26: {  	s1 =	rddreg [dreg:$0x1];
	p0 =	sne.s32 s2, $0x0  }
0x27: {  	s3 =	rddreg [dreg:$0x2];
	[bflag:$0x3] =	sbarrier.arrive $0xFFFF;
	s2 =	simm.s32 @!p0 $0x1C02  }
0x28: {  	[timem:s3], [sflag:s2] =	dma.local @!p0 [hbm:s0], s1  }
0x29: {  	s0 =	simm.s32 @!p0 $0x2  }
0x2a: {  	_ =	swait.ge @!p0 [sflag:s0], s1  }
0x2b: {  	s1 =	ssub.s32 @!p0 $0x0, s1;
	[sflag:s0] =	ssyncset.done @!p0 $0x0  }
0x2c: {  	[sflag:s0] =	ssyncadd.s32 @!p0 s1  }
0x2d: {  	[bflag:$0x3] =	sbarrier.arrive $0xFFFF  }
0x2e: {  	_ =	shalt  }

</sc_bundles>
